<compile_context>
chip_gen: v7x
topology: tpu7x:2x2x1
jax: 0.10.2.dev20260603
libtpu: 0.0.44.dev20260713+nightly
codegen_flags: <defaults>
</compile_context>

<pallas_src>
import functools

import jax
import jax.numpy as jnp
from jax import lax
from jax.experimental import pallas as pl
from jax.experimental.pallas import tpu as pltpu
from jax.experimental.pallas import tpu_sc as plsc

EMB = 64
PAIR = 2 * EMB
NC, NS = 2, 16
NW = NC * NS
CHUNK = 128
NSLOT = 4


def _sc_gather3(tw, cw, ng, temb2, cemb2):
    b = tw.shape[0]
    bpw = b // NW
    nchunks = bpw // CHUNK
    tw3 = tw.reshape(NW, nchunks, CHUNK)
    cw3 = cw.reshape(NW, nchunks, CHUNK)
    ng3 = ng.reshape(NW, nchunks, CHUNK)

    mesh = plsc.VectorSubcoreMesh(core_axis_name="c", subcore_axis_name="s")

    @functools.partial(
        pl.kernel,
        mesh=mesh,
        out_type=[
            jax.ShapeDtypeStruct((b, PAIR), jnp.float32),
            jax.ShapeDtypeStruct((b, PAIR), jnp.float32),
            jax.ShapeDtypeStruct((b, PAIR), jnp.float32),
        ],
        scratch_types=(
            [pltpu.VMEM((nchunks, CHUNK), jnp.int32)] * 3
            + [pltpu.VMEM((CHUNK, PAIR), jnp.float32)] * NSLOT
            + [pltpu.SemaphoreType.DMA] * (2 * NSLOT)
        ),
    )
    def k(tw_hbm, cw_hbm, ng_hbm, temb_hbm, cemb_hbm,
          t_out, c_out, n_out,
          ti, ci, ni, *rest):
        bufs = rest[:NSLOT]
        gsems = rest[NSLOT:2 * NSLOT]
        wsems = rest[2 * NSLOT:]
        wid = lax.axis_index("s") * NC + lax.axis_index("c")
        base = wid * bpw
        pltpu.sync_copy(tw_hbm.at[wid], ti)
        pltpu.sync_copy(cw_hbm.at[wid], ci)
        pltpu.sync_copy(ng_hbm.at[wid], ni)

        stages = []
        for idx_ref, src, dst in ((ti, temb_hbm, t_out),
                                  (ci, cemb_hbm, c_out),
                                  (ni, temb_hbm, n_out)):
            for s in range(nchunks):
                stages.append((idx_ref, src, dst, s))

        total = len(stages)
        gathers = [None] * NSLOT
        writes = [None] * NSLOT

        def fire_gather(i):
            idx_ref, src, _, s = stages[i]
            slot = i % NSLOT
            gathers[slot] = pltpu.async_copy(
                src.at[idx_ref.at[s]], bufs[slot], gsems[slot])

        def fire_write(i):
            _, _, dst, s = stages[i]
            slot = i % NSLOT
            writes[slot] = pltpu.async_copy(
                bufs[slot], dst.at[pl.ds(base + s * CHUNK, CHUNK)],
                wsems[slot])

        for i in range(total):
            slot = i % NSLOT
            if writes[slot] is not None:
                writes[slot].wait()
            fire_gather(i)
            if i >= NSLOT - 1:
                j = i - (NSLOT - 1)
                gathers[j % NSLOT].wait()
                fire_write(j)
        for j in range(max(total - NSLOT + 1, 0), total):
            gathers[j % NSLOT].wait()
            fire_write(j)
        for w in writes:
            if w is not None:
                w.wait()

    return k(tw3, cw3, ng3, temb2, cemb2)


def _tc_loss(t_pairs, c_pairs, n_pairs, tp, cp, np_):
    b = t_pairs.shape[0]
    blk = 2048
    grid = b // blk

    def body(t_ref, c_ref, n_ref, tp_ref, cp_ref, np_ref, o_ref, acc_ref):
        i = pl.program_id(0)

        @pl.when(i == 0)
        def _():
            acc_ref[0] = 0.0

        def pick(pair_ref, par_ref):
            v = pair_ref[...]
            odd = par_ref[...] != 0
            return jnp.where(odd, v[:, EMB:], v[:, :EMB])

        t = pick(t_ref, tp_ref)
        c = pick(c_ref, cp_ref)
        n = pick(n_ref, np_ref)
        pos = jnp.sum(t * c, axis=1)
        neg = jnp.sum(n * c, axis=1)

        def ls(x):
            return jnp.minimum(x, 0.0) - jnp.log1p(jnp.exp(-jnp.abs(x)))

        acc_ref[0] += jnp.sum(ls(pos)) + jnp.sum(ls(-neg))

        @pl.when(i == grid - 1)
        def _():
            o_ref[...] = jnp.full((1, 1), -acc_ref[0], jnp.float32)

    row_spec = pl.BlockSpec((blk, PAIR), lambda i: (i, 0))
    par_spec = pl.BlockSpec((blk, 1), lambda i: (i, 0))
    out = pl.pallas_call(
        body,
        grid=(grid,),
        in_specs=[row_spec, row_spec, row_spec, par_spec, par_spec, par_spec],
        out_specs=pl.BlockSpec((1, 1), lambda i: (0, 0)),
        out_shape=jax.ShapeDtypeStruct((1, 1), jnp.float32),
        scratch_shapes=[pltpu.SMEM((1,), jnp.float32)],
    )(t_pairs, c_pairs, n_pairs, tp, cp, np_)
    return out[0, 0]


def kernel(target_word, context_word, negative_example, target_emb, context_emb):
    tw = target_word.astype(jnp.int32)
    cw = context_word.astype(jnp.int32)
    ng = negative_example.astype(jnp.int32)
    nvocab = target_emb.shape[0]
    temb2 = target_emb.reshape(nvocab // 2, PAIR)
    cemb2 = context_emb.reshape(nvocab // 2, PAIR)
    t_pairs, c_pairs, n_pairs = _sc_gather3(tw >> 1, cw >> 1, ng >> 1,
                                            temb2, cemb2)
    tp = (tw & 1).reshape(-1, 1)
    cp = (cw & 1).reshape(-1, 1)
    np_ = (ng & 1).reshape(-1, 1)
    return _tc_loss(t_pairs, c_pairs, n_pairs, tp, cp, np_)

# --- scband reference (transcript-rebuilt; emitter-appended) ---
"""Pipeline reference for scband-word2-vec-negative-26431228740166 (READ-ONLY COPY).

The authoritative reference and input builder live on the scoring server;
editing this copy changes nothing except your own understanding.
"""

import jax, jax.numpy as jnp
import numpy as np

VOCAB = 1000000
EMB = 64
B = 16384

def setup_inputs(seed: int = 0) -> dict:
    key = jax.random.key(seed)
    k1, k2, k3, k4, k5 = jax.random.split(key, 5)
    target_word = jax.random.randint(k1, (B,), 0, VOCAB, dtype=jnp.int64 if jax.config.jax_enable_x64 else jnp.int32)
    context_word = jax.random.randint(k2, (B,), 0, VOCAB, dtype=jnp.int64 if jax.config.jax_enable_x64 else jnp.int32)
    negative_example = jax.random.randint(k3, (B,), 0, VOCAB, dtype=jnp.int64 if jax.config.jax_enable_x64 else jnp.int32)
    target_emb = jax.random.normal(k4, (VOCAB, EMB), dtype=jnp.float32)
    context_emb = jax.random.normal(k5, (VOCAB, EMB), dtype=jnp.float32)
    return {
        "target_word": target_word,
        "context_word": context_word,
        "negative_example": negative_example,
        "target_emb": target_emb,
        "context_emb": context_emb,
    }

def reference(target_word, context_word, negative_example, target_emb, context_emb):
    emb_target = jnp.take(target_emb, target_word, axis=0)
    emb_context = jnp.take(context_emb, context_word, axis=0)
    emb_product = jnp.sum(emb_target * emb_context, axis=1)
    output = jnp.sum(jax.nn.log_sigmoid(emb_product))
    emb_negative = jnp.take(target_emb, negative_example, axis=0)
    emb_product_neg = jnp.sum(emb_negative * emb_context, axis=1)
    output = output + jnp.sum(jax.nn.log_sigmoid(-emb_product_neg))
    return -output

if __name__ == "__main__":
    import jax
    _d = setup_inputs()
    print(jax.jit(kernel)(*tuple(_d.values())))

</pallas_src>

<mosaic_0001>
#map = affine_map<(d0, d1) -> (0, 0, 0)>
#map1 = affine_map<(d0, d1) -> (0, 0)>
module attributes {stable_mosaic.version = 14 : i64} {
  func.func @k(%arg0: i32, %arg1: i32, %arg2: memref<32x4x128xi32, #tpu.memory_space<hbm>>, %arg3: memref<32x4x128xi32, #tpu.memory_space<hbm>>, %arg4: memref<32x4x128xi32, #tpu.memory_space<hbm>>, %arg5: memref<500000x128xf32, #tpu.memory_space<hbm>>, %arg6: memref<500000x128xf32, #tpu.memory_space<hbm>>, %arg7: memref<16384x128xf32, #tpu.memory_space<hbm>>, %arg8: memref<16384x128xf32, #tpu.memory_space<hbm>>, %arg9: memref<16384x128xf32, #tpu.memory_space<hbm>>, %arg10: memref<4x128xi32, #tpu.memory_space<vmem>>, %arg11: memref<4x128xi32, #tpu.memory_space<vmem>>, %arg12: memref<4x128xi32, #tpu.memory_space<vmem>>, %arg13: memref<128x128xf32, #tpu.memory_space<vmem>>, %arg14: memref<128x128xf32, #tpu.memory_space<vmem>>, %arg15: memref<128x128xf32, #tpu.memory_space<vmem>>, %arg16: memref<128x128xf32, #tpu.memory_space<vmem>>, %arg17: memref<!tpu.dma_semaphore, #tpu.memory_space<semaphore_mem>>, %arg18: memref<!tpu.dma_semaphore, #tpu.memory_space<semaphore_mem>>, %arg19: memref<!tpu.dma_semaphore, #tpu.memory_space<semaphore_mem>>, %arg20: memref<!tpu.dma_semaphore, #tpu.memory_space<semaphore_mem>>, %arg21: memref<!tpu.dma_semaphore, #tpu.memory_space<semaphore_mem>>, %arg22: memref<!tpu.dma_semaphore, #tpu.memory_space<semaphore_mem>>, %arg23: memref<!tpu.dma_semaphore, #tpu.memory_space<semaphore_mem>>, %arg24: memref<!tpu.dma_semaphore, #tpu.memory_space<semaphore_mem>>) attributes {dimension_semantics = [#tpu.dimension_semantics<core_parallel>, #tpu.dimension_semantics<subcore_parallel>], iteration_bounds = array<i64: 2, 16>, scalar_prefetch = 0 : i64, scratch_operands = 15 : i64, tpu.core_type = #tpu.core_type<sc_vector_subcore>, window_params = [{transform_indices = #map}, {transform_indices = #map}, {transform_indices = #map}, {transform_indices = #map1}, {transform_indices = #map1}, {transform_indices = #map1}, {transform_indices = #map1}, {transform_indices = #map1}]} {
    %mul3A = arith.constant 2 : i32
    %mul3A_0 = arith.muli %arg1, %mul3A : i32
    %add3A = arith.addi %mul3A_0, %arg0 : i32
    %mul3A_1 = arith.constant 512 : i32
    %mul3A_2 = arith.muli %add3A, %mul3A_1 : i32
    "tpu.region"() ({
      %run_scoped3A = tpu.sem_alloc : memref<!tpu.dma_semaphore, #tpu.memory_space<semaphore_mem>>
      %dma_start3A_289 = arith.constant 0 : i32
      %dma_start3A_290 = arith.constant 0 : i32
      %dma_start3A_291 = tpu.memref_slice %arg2[%add3A, %dma_start3A_289, %dma_start3A_290] : memref<32x4x128xi32, #tpu.memory_space<hbm>> -> memref<1x4x128xi32, #tpu.memory_space<hbm>>
      %dma_start3A_292 = tpu.memref_squeeze %dma_start3A_291 : memref<1x4x128xi32, #tpu.memory_space<hbm>> -> memref<4x128xi32, #tpu.memory_space<hbm>>
      %dma_start3A_293 = arith.constant 0 : i32
      %dma_start3A_294 = arith.constant 0 : i32
      %dma_start3A_295 = tpu.memref_slice %arg2[%add3A, %dma_start3A_293, %dma_start3A_294] : memref<32x4x128xi32, #tpu.memory_space<hbm>> -> memref<1x4x128xi32, #tpu.memory_space<hbm>>
      %dma_start3A_296 = tpu.memref_squeeze %dma_start3A_295 : memref<1x4x128xi32, #tpu.memory_space<hbm>> -> memref<4x128xi32, #tpu.memory_space<hbm>>
      tpu.enqueue_dma source(%dma_start3A_296 : memref<4x128xi32, #tpu.memory_space<hbm>>) target(%arg10 : memref<4x128xi32, #tpu.memory_space<vmem>>) target_semaphore(%run_scoped3A : memref<!tpu.dma_semaphore, #tpu.memory_space<semaphore_mem>>)
      %dma_wait3A_297 = arith.constant 0 : i32
      %dma_wait3A_298 = arith.constant 0 : i32
      %dma_wait3A_299 = tpu.memref_slice %arg2[%add3A, %dma_wait3A_297, %dma_wait3A_298] : memref<32x4x128xi32, #tpu.memory_space<hbm>> -> memref<1x4x128xi32, #tpu.memory_space<hbm>>
      %dma_wait3A_300 = tpu.memref_squeeze %dma_wait3A_299 : memref<1x4x128xi32, #tpu.memory_space<hbm>> -> memref<4x128xi32, #tpu.memory_space<hbm>>
      %dma_wait3A_301 = arith.constant 0 : i32
      %dma_wait3A_302 = arith.constant 0 : i32
      %dma_wait3A_303 = tpu.memref_slice %arg2[%add3A, %dma_wait3A_301, %dma_wait3A_302] : memref<32x4x128xi32, #tpu.memory_space<hbm>> -> memref<1x4x128xi32, #tpu.memory_space<hbm>>
      %dma_wait3A_304 = tpu.memref_squeeze %dma_wait3A_303 : memref<1x4x128xi32, #tpu.memory_space<hbm>> -> memref<4x128xi32, #tpu.memory_space<hbm>>
      tpu.wait_dma2 semaphore(%run_scoped3A : memref<!tpu.dma_semaphore, #tpu.memory_space<semaphore_mem>>) src(%dma_wait3A_304 : memref<4x128xi32, #tpu.memory_space<hbm>>) dst(%arg10 : memref<4x128xi32, #tpu.memory_space<vmem>>)
      tpu.yield
    }) : () -> ()
    "tpu.region"() ({
      %run_scoped3A = tpu.sem_alloc : memref<!tpu.dma_semaphore, #tpu.memory_space<semaphore_mem>>
      %dma_start3A_289 = arith.constant 0 : i32
      %dma_start3A_290 = arith.constant 0 : i32
      %dma_start3A_291 = tpu.memref_slice %arg3[%add3A, %dma_start3A_289, %dma_start3A_290] : memref<32x4x128xi32, #tpu.memory_space<hbm>> -> memref<1x4x128xi32, #tpu.memory_space<hbm>>
      %dma_start3A_292 = tpu.memref_squeeze %dma_start3A_291 : memref<1x4x128xi32, #tpu.memory_space<hbm>> -> memref<4x128xi32, #tpu.memory_space<hbm>>
      %dma_start3A_293 = arith.constant 0 : i32
      %dma_start3A_294 = arith.constant 0 : i32
      %dma_start3A_295 = tpu.memref_slice %arg3[%add3A, %dma_start3A_293, %dma_start3A_294] : memref<32x4x128xi32, #tpu.memory_space<hbm>> -> memref<1x4x128xi32, #tpu.memory_space<hbm>>
      %dma_start3A_296 = tpu.memref_squeeze %dma_start3A_295 : memref<1x4x128xi32, #tpu.memory_space<hbm>> -> memref<4x128xi32, #tpu.memory_space<hbm>>
      tpu.enqueue_dma source(%dma_start3A_296 : memref<4x128xi32, #tpu.memory_space<hbm>>) target(%arg11 : memref<4x128xi32, #tpu.memory_space<vmem>>) target_semaphore(%run_scoped3A : memref<!tpu.dma_semaphore, #tpu.memory_space<semaphore_mem>>)
      %dma_wait3A_297 = arith.constant 0 : i32
      %dma_wait3A_298 = arith.constant 0 : i32
      %dma_wait3A_299 = tpu.memref_slice %arg3[%add3A, %dma_wait3A_297, %dma_wait3A_298] : memref<32x4x128xi32, #tpu.memory_space<hbm>> -> memref<1x4x128xi32, #tpu.memory_space<hbm>>
      %dma_wait3A_300 = tpu.memref_squeeze %dma_wait3A_299 : memref<1x4x128xi32, #tpu.memory_space<hbm>> -> memref<4x128xi32, #tpu.memory_space<hbm>>
      %dma_wait3A_301 = arith.constant 0 : i32
      %dma_wait3A_302 = arith.constant 0 : i32
      %dma_wait3A_303 = tpu.memref_slice %arg3[%add3A, %dma_wait3A_301, %dma_wait3A_302] : memref<32x4x128xi32, #tpu.memory_space<hbm>> -> memref<1x4x128xi32, #tpu.memory_space<hbm>>
      %dma_wait3A_304 = tpu.memref_squeeze %dma_wait3A_303 : memref<1x4x128xi32, #tpu.memory_space<hbm>> -> memref<4x128xi32, #tpu.memory_space<hbm>>
      tpu.wait_dma2 semaphore(%run_scoped3A : memref<!tpu.dma_semaphore, #tpu.memory_space<semaphore_mem>>) src(%dma_wait3A_304 : memref<4x128xi32, #tpu.memory_space<hbm>>) dst(%arg11 : memref<4x128xi32, #tpu.memory_space<vmem>>)
      tpu.yield
    }) : () -> ()
    "tpu.region"() ({
      %run_scoped3A = tpu.sem_alloc : memref<!tpu.dma_semaphore, #tpu.memory_space<semaphore_mem>>
      %dma_start3A_289 = arith.constant 0 : i32
      %dma_start3A_290 = arith.constant 0 : i32
      %dma_start3A_291 = tpu.memref_slice %arg4[%add3A, %dma_start3A_289, %dma_start3A_290] : memref<32x4x128xi32, #tpu.memory_space<hbm>> -> memref<1x4x128xi32, #tpu.memory_space<hbm>>
      %dma_start3A_292 = tpu.memref_squeeze %dma_start3A_291 : memref<1x4x128xi32, #tpu.memory_space<hbm>> -> memref<4x128xi32, #tpu.memory_space<hbm>>
      %dma_start3A_293 = arith.constant 0 : i32
      %dma_start3A_294 = arith.constant 0 : i32
      %dma_start3A_295 = tpu.memref_slice %arg4[%add3A, %dma_start3A_293, %dma_start3A_294] : memref<32x4x128xi32, #tpu.memory_space<hbm>> -> memref<1x4x128xi32, #tpu.memory_space<hbm>>
      %dma_start3A_296 = tpu.memref_squeeze %dma_start3A_295 : memref<1x4x128xi32, #tpu.memory_space<hbm>> -> memref<4x128xi32, #tpu.memory_space<hbm>>
      tpu.enqueue_dma source(%dma_start3A_296 : memref<4x128xi32, #tpu.memory_space<hbm>>) target(%arg12 : memref<4x128xi32, #tpu.memory_space<vmem>>) target_semaphore(%run_scoped3A : memref<!tpu.dma_semaphore, #tpu.memory_space<semaphore_mem>>)
      %dma_wait3A_297 = arith.constant 0 : i32
      %dma_wait3A_298 = arith.constant 0 : i32
      %dma_wait3A_299 = tpu.memref_slice %arg4[%add3A, %dma_wait3A_297, %dma_wait3A_298] : memref<32x4x128xi32, #tpu.memory_space<hbm>> -> memref<1x4x128xi32, #tpu.memory_space<hbm>>
      %dma_wait3A_300 = tpu.memref_squeeze %dma_wait3A_299 : memref<1x4x128xi32, #tpu.memory_space<hbm>> -> memref<4x128xi32, #tpu.memory_space<hbm>>
      %dma_wait3A_301 = arith.constant 0 : i32
      %dma_wait3A_302 = arith.constant 0 : i32
      %dma_wait3A_303 = tpu.memref_slice %arg4[%add3A, %dma_wait3A_301, %dma_wait3A_302] : memref<32x4x128xi32, #tpu.memory_space<hbm>> -> memref<1x4x128xi32, #tpu.memory_space<hbm>>
      %dma_wait3A_304 = tpu.memref_squeeze %dma_wait3A_303 : memref<1x4x128xi32, #tpu.memory_space<hbm>> -> memref<4x128xi32, #tpu.memory_space<hbm>>
      tpu.wait_dma2 semaphore(%run_scoped3A : memref<!tpu.dma_semaphore, #tpu.memory_space<semaphore_mem>>) src(%dma_wait3A_304 : memref<4x128xi32, #tpu.memory_space<hbm>>) dst(%arg12 : memref<4x128xi32, #tpu.memory_space<vmem>>)
      tpu.yield
    }) : () -> ()
    %dma_start3A = arith.constant 0 : i32
    %dma_start3A_3 = arith.constant 0 : i32
    %dma_start3A_4 = tpu.memref_slice %arg10[%dma_start3A, %dma_start3A_3] : memref<4x128xi32, #tpu.memory_space<vmem>> -> memref<1x128xi32, #tpu.memory_space<vmem>>
    %dma_start3A_5 = tpu.memref_squeeze %dma_start3A_4 : memref<1x128xi32, #tpu.memory_space<vmem>> -> memref<128xi32, #tpu.memory_space<vmem>>
    %dma_start3A_6 = arith.constant 0 : i32
    %dma_start3A_7 = arith.constant 0 : i32
    %dma_start3A_8 = tpu.memref_slice %arg5[%dma_start3A_6, %dma_start3A_7] : memref<500000x128xf32, #tpu.memory_space<hbm>> -> memref<500000x128xf32, #tpu.memory_space<hbm>>
    tpu.enqueue_indirect_dma source(%dma_start3A_8 : memref<500000x128xf32, #tpu.memory_space<hbm>>) target(%arg13 : memref<128x128xf32, #tpu.memory_space<vmem>>) offsets(%dma_start3A_5 : memref<128xi32, #tpu.memory_space<vmem>>) semaphore(%arg17 : memref<!tpu.dma_semaphore, #tpu.memory_space<semaphore_mem>>)
    %dma_start3A_9 = arith.constant 1 : i32
    %dma_start3A_10 = arith.constant 0 : i32
    %dma_start3A_11 = tpu.memref_slice %arg10[%dma_start3A_9, %dma_start3A_10] : memref<4x128xi32, #tpu.memory_space<vmem>> -> memref<1x128xi32, #tpu.memory_space<vmem>>
    %dma_start3A_12 = tpu.memref_squeeze %dma_start3A_11 : memref<1x128xi32, #tpu.memory_space<vmem>> -> memref<128xi32, #tpu.memory_space<vmem>>
    %dma_start3A_13 = arith.constant 0 : i32
    %dma_start3A_14 = arith.constant 0 : i32
    %dma_start3A_15 = tpu.memref_slice %arg5[%dma_start3A_13, %dma_start3A_14] : memref<500000x128xf32, #tpu.memory_space<hbm>> -> memref<500000x128xf32, #tpu.memory_space<hbm>>
    tpu.enqueue_indirect_dma source(%dma_start3A_15 : memref<500000x128xf32, #tpu.memory_space<hbm>>) target(%arg14 : memref<128x128xf32, #tpu.memory_space<vmem>>) offsets(%dma_start3A_12 : memref<128xi32, #tpu.memory_space<vmem>>) semaphore(%arg18 : memref<!tpu.dma_semaphore, #tpu.memory_space<semaphore_mem>>)
    %dma_start3A_16 = arith.constant 2 : i32
    %dma_start3A_17 = arith.constant 0 : i32
    %dma_start3A_18 = tpu.memref_slice %arg10[%dma_start3A_16, %dma_start3A_17] : memref<4x128xi32, #tpu.memory_space<vmem>> -> memref<1x128xi32, #tpu.memory_space<vmem>>
    %dma_start3A_19 = tpu.memref_squeeze %dma_start3A_18 : memref<1x128xi32, #tpu.memory_space<vmem>> -> memref<128xi32, #tpu.memory_space<vmem>>
    %dma_start3A_20 = arith.constant 0 : i32
    %dma_start3A_21 = arith.constant 0 : i32
    %dma_start3A_22 = tpu.memref_slice %arg5[%dma_start3A_20, %dma_start3A_21] : memref<500000x128xf32, #tpu.memory_space<hbm>> -> memref<500000x128xf32, #tpu.memory_space<hbm>>
    tpu.enqueue_indirect_dma source(%dma_start3A_22 : memref<500000x128xf32, #tpu.memory_space<hbm>>) target(%arg15 : memref<128x128xf32, #tpu.memory_space<vmem>>) offsets(%dma_start3A_19 : memref<128xi32, #tpu.memory_space<vmem>>) semaphore(%arg19 : memref<!tpu.dma_semaphore, #tpu.memory_space<semaphore_mem>>)
    %dma_start3A_23 = arith.constant 3 : i32
    %dma_start3A_24 = arith.constant 0 : i32
    %dma_start3A_25 = tpu.memref_slice %arg10[%dma_start3A_23, %dma_start3A_24] : memref<4x128xi32, #tpu.memory_space<vmem>> -> memref<1x128xi32, #tpu.memory_space<vmem>>
    %dma_start3A_26 = tpu.memref_squeeze %dma_start3A_25 : memref<1x128xi32, #tpu.memory_space<vmem>> -> memref<128xi32, #tpu.memory_space<vmem>>
    %dma_start3A_27 = arith.constant 0 : i32
    %dma_start3A_28 = arith.constant 0 : i32
    %dma_start3A_29 = tpu.memref_slice %arg5[%dma_start3A_27, %dma_start3A_28] : memref<500000x128xf32, #tpu.memory_space<hbm>> -> memref<500000x128xf32, #tpu.memory_space<hbm>>
    tpu.enqueue_indirect_dma source(%dma_start3A_29 : memref<500000x128xf32, #tpu.memory_space<hbm>>) target(%arg16 : memref<128x128xf32, #tpu.memory_space<vmem>>) offsets(%dma_start3A_26 : memref<128xi32, #tpu.memory_space<vmem>>) semaphore(%arg20 : memref<!tpu.dma_semaphore, #tpu.memory_space<semaphore_mem>>)
    %dma_wait3A = arith.constant 0 : i32
    %dma_wait3A_30 = arith.constant 0 : i32
    %dma_wait3A_31 = tpu.memref_slice %arg10[%dma_wait3A, %dma_wait3A_30] : memref<4x128xi32, #tpu.memory_space<vmem>> -> memref<1x128xi32, #tpu.memory_space<vmem>>
    %dma_wait3A_32 = tpu.memref_squeeze %dma_wait3A_31 : memref<1x128xi32, #tpu.memory_space<vmem>> -> memref<128xi32, #tpu.memory_space<vmem>>
    %dma_wait3A_33 = arith.constant 0 : i32
    %dma_wait3A_34 = arith.constant 0 : i32
    %dma_wait3A_35 = tpu.memref_slice %arg5[%dma_wait3A_33, %dma_wait3A_34] : memref<500000x128xf32, #tpu.memory_space<hbm>> -> memref<500000x128xf32, #tpu.memory_space<hbm>>
    tpu.wait_indirect_dma semaphore(%arg17 : memref<!tpu.dma_semaphore, #tpu.memory_space<semaphore_mem>>) src(%dma_wait3A_35 : memref<500000x128xf32, #tpu.memory_space<hbm>>) dst(%arg13 : memref<128x128xf32, #tpu.memory_space<vmem>>)
    %add3A_36 = arith.constant 0 : i32
    %add3A_37 = arith.addi %mul3A_2, %add3A_36 : i32
    %dma_start3A_38 = arith.constant 0 : i32
    %dma_start3A_39 = tpu.memref_slice %arg7[%add3A_37, %dma_start3A_38] : memref<16384x128xf32, #tpu.memory_space<hbm>> -> memref<128x128xf32, #tpu.memory_space<hbm>>
    %dma_start3A_40 = arith.constant 0 : i32
    %dma_start3A_41 = tpu.memref_slice %arg7[%add3A_37, %dma_start3A_40] : memref<16384x128xf32, #tpu.memory_space<hbm>> -> memref<128x128xf32, #tpu.memory_space<hbm>>
    tpu.enqueue_dma source(%arg13 : memref<128x128xf32, #tpu.memory_space<vmem>>) target(%dma_start3A_41 : memref<128x128xf32, #tpu.memory_space<hbm>>) target_semaphore(%arg21 : memref<!tpu.dma_semaphore, #tpu.memory_space<semaphore_mem>>)
    %dma_wait3A_42 = arith.constant 0 : i32
    %dma_wait3A_43 = tpu.memref_slice %arg7[%add3A_37, %dma_wait3A_42] : memref<16384x128xf32, #tpu.memory_space<hbm>> -> memref<128x128xf32, #tpu.memory_space<hbm>>
    %dma_wait3A_44 = arith.constant 0 : i32
    %dma_wait3A_45 = tpu.memref_slice %arg7[%add3A_37, %dma_wait3A_44] : memref<16384x128xf32, #tpu.memory_space<hbm>> -> memref<128x128xf32, #tpu.memory_space<hbm>>
    tpu.wait_dma2 semaphore(%arg21 : memref<!tpu.dma_semaphore, #tpu.memory_space<semaphore_mem>>) src(%arg13 : memref<128x128xf32, #tpu.memory_space<vmem>>) dst(%dma_wait3A_45 : memref<128x128xf32, #tpu.memory_space<hbm>>)
    %dma_start3A_46 = arith.constant 0 : i32
    %dma_start3A_47 = arith.constant 0 : i32
    %dma_start3A_48 = tpu.memref_slice %arg11[%dma_start3A_46, %dma_start3A_47] : memref<4x128xi32, #tpu.memory_space<vmem>> -> memref<1x128xi32, #tpu.memory_space<vmem>>
    %dma_start3A_49 = tpu.memref_squeeze %dma_start3A_48 : memref<1x128xi32, #tpu.memory_space<vmem>> -> memref<128xi32, #tpu.memory_space<vmem>>
    %dma_start3A_50 = arith.constant 0 : i32
    %dma_start3A_51 = arith.constant 0 : i32
    %dma_start3A_52 = tpu.memref_slice %arg6[%dma_start3A_50, %dma_start3A_51] : memref<500000x128xf32, #tpu.memory_space<hbm>> -> memref<500000x128xf32, #tpu.memory_space<hbm>>
    tpu.enqueue_indirect_dma source(%dma_start3A_52 : memref<500000x128xf32, #tpu.memory_space<hbm>>) target(%arg13 : memref<128x128xf32, #tpu.memory_space<vmem>>) offsets(%dma_start3A_49 : memref<128xi32, #tpu.memory_space<vmem>>) semaphore(%arg17 : memref<!tpu.dma_semaphore, #tpu.memory_space<semaphore_mem>>)
    %dma_wait3A_53 = arith.constant 1 : i32
    %dma_wait3A_54 = arith.constant 0 : i32
    %dma_wait3A_55 = tpu.memref_slice %arg10[%dma_wait3A_53, %dma_wait3A_54] : memref<4x128xi32, #tpu.memory_space<vmem>> -> memref<1x128xi32, #tpu.memory_space<vmem>>
    %dma_wait3A_56 = tpu.memref_squeeze %dma_wait3A_55 : memref<1x128xi32, #tpu.memory_space<vmem>> -> memref<128xi32, #tpu.memory_space<vmem>>
    %dma_wait3A_57 = arith.constant 0 : i32
    %dma_wait3A_58 = arith.constant 0 : i32
    %dma_wait3A_59 = tpu.memref_slice %arg5[%dma_wait3A_57, %dma_wait3A_58] : memref<500000x128xf32, #tpu.memory_space<hbm>> -> memref<500000x128xf32, #tpu.memory_space<hbm>>
    tpu.wait_indirect_dma semaphore(%arg18 : memref<!tpu.dma_semaphore, #tpu.memory_space<semaphore_mem>>) src(%dma_wait3A_59 : memref<500000x128xf32, #tpu.memory_space<hbm>>) dst(%arg14 : memref<128x128xf32, #tpu.memory_space<vmem>>)
    %add3A_60 = arith.constant 128 : i32
    %add3A_61 = arith.addi %mul3A_2, %add3A_60 : i32
    %dma_start3A_62 = arith.constant 0 : i32
    %dma_start3A_63 = tpu.memref_slice %arg7[%add3A_61, %dma_start3A_62] : memref<16384x128xf32, #tpu.memory_space<hbm>> -> memref<128x128xf32, #tpu.memory_space<hbm>>
    %dma_start3A_64 = arith.constant 0 : i32
    %dma_start3A_65 = tpu.memref_slice %arg7[%add3A_61, %dma_start3A_64] : memref<16384x128xf32, #tpu.memory_space<hbm>> -> memref<128x128xf32, #tpu.memory_space<hbm>>
    tpu.enqueue_dma source(%arg14 : memref<128x128xf32, #tpu.memory_space<vmem>>) target(%dma_start3A_65 : memref<128x128xf32, #tpu.memory_space<hbm>>) target_semaphore(%arg22 : memref<!tpu.dma_semaphore, #tpu.memory_space<semaphore_mem>>)
    %dma_wait3A_66 = arith.constant 0 : i32
    %dma_wait3A_67 = tpu.memref_slice %arg7[%add3A_61, %dma_wait3A_66] : memref<16384x128xf32, #tpu.memory_space<hbm>> -> memref<128x128xf32, #tpu.memory_space<hbm>>
    %dma_wait3A_68 = arith.constant 0 : i32
    %dma_wait3A_69 = tpu.memref_slice %arg7[%add3A_61, %dma_wait3A_68] : memref<16384x128xf32, #tpu.memory_space<hbm>> -> memref<128x128xf32, #tpu.memory_space<hbm>>
    tpu.wait_dma2 semaphore(%arg22 : memref<!tpu.dma_semaphore, #tpu.memory_space<semaphore_mem>>) src(%arg14 : memref<128x128xf32, #tpu.memory_space<vmem>>) dst(%dma_wait3A_69 : memref<128x128xf32, #tpu.memory_space<hbm>>)
    %dma_start3A_70 = arith.constant 1 : i32
    %dma_start3A_71 = arith.constant 0 : i32
    %dma_start3A_72 = tpu.memref_slice %arg11[%dma_start3A_70, %dma_start3A_71] : memref<4x128xi32, #tpu.memory_space<vmem>> -> memref<1x128xi32, #tpu.memory_space<vmem>>
    %dma_start3A_73 = tpu.memref_squeeze %dma_start3A_72 : memref<1x128xi32, #tpu.memory_space<vmem>> -> memref<128xi32, #tpu.memory_space<vmem>>
    %dma_start3A_74 = arith.constant 0 : i32
    %dma_start3A_75 = arith.constant 0 : i32
    %dma_start3A_76 = tpu.memref_slice %arg6[%dma_start3A_74, %dma_start3A_75] : memref<500000x128xf32, #tpu.memory_space<hbm>> -> memref<500000x128xf32, #tpu.memory_space<hbm>>
    tpu.enqueue_indirect_dma source(%dma_start3A_76 : memref<500000x128xf32, #tpu.memory_space<hbm>>) target(%arg14 : memref<128x128xf32, #tpu.memory_space<vmem>>) offsets(%dma_start3A_73 : memref<128xi32, #tpu.memory_space<vmem>>) semaphore(%arg18 : memref<!tpu.dma_semaphore, #tpu.memory_space<semaphore_mem>>)
    %dma_wait3A_77 = arith.constant 2 : i32
    %dma_wait3A_78 = arith.constant 0 : i32
    %dma_wait3A_79 = tpu.memref_slice %arg10[%dma_wait3A_77, %dma_wait3A_78] : memref<4x128xi32, #tpu.memory_space<vmem>> -> memref<1x128xi32, #tpu.memory_space<vmem>>
    %dma_wait3A_80 = tpu.memref_squeeze %dma_wait3A_79 : memref<1x128xi32, #tpu.memory_space<vmem>> -> memref<128xi32, #tpu.memory_space<vmem>>
    %dma_wait3A_81 = arith.constant 0 : i32
    %dma_wait3A_82 = arith.constant 0 : i32
    %dma_wait3A_83 = tpu.memref_slice %arg5[%dma_wait3A_81, %dma_wait3A_82] : memref<500000x128xf32, #tpu.memory_space<hbm>> -> memref<500000x128xf32, #tpu.memory_space<hbm>>
    tpu.wait_indirect_dma semaphore(%arg19 : memref<!tpu.dma_semaphore, #tpu.memory_space<semaphore_mem>>) src(%dma_wait3A_83 : memref<500000x128xf32, #tpu.memory_space<hbm>>) dst(%arg15 : memref<128x128xf32, #tpu.memory_space<vmem>>)
    %add3A_84 = arith.constant 256 : i32
    %add3A_85 = arith.addi %mul3A_2, %add3A_84 : i32
    %dma_start3A_86 = arith.constant 0 : i32
    %dma_start3A_87 = tpu.memref_slice %arg7[%add3A_85, %dma_start3A_86] : memref<16384x128xf32, #tpu.memory_space<hbm>> -> memref<128x128xf32, #tpu.memory_space<hbm>>
    %dma_start3A_88 = arith.constant 0 : i32
    %dma_start3A_89 = tpu.memref_slice %arg7[%add3A_85, %dma_start3A_88] : memref<16384x128xf32, #tpu.memory_space<hbm>> -> memref<128x128xf32, #tpu.memory_space<hbm>>
    tpu.enqueue_dma source(%arg15 : memref<128x128xf32, #tpu.memory_space<vmem>>) target(%dma_start3A_89 : memref<128x128xf32, #tpu.memory_space<hbm>>) target_semaphore(%arg23 : memref<!tpu.dma_semaphore, #tpu.memory_space<semaphore_mem>>)
    %dma_wait3A_90 = arith.constant 0 : i32
    %dma_wait3A_91 = tpu.memref_slice %arg7[%add3A_85, %dma_wait3A_90] : memref<16384x128xf32, #tpu.memory_space<hbm>> -> memref<128x128xf32, #tpu.memory_space<hbm>>
    %dma_wait3A_92 = arith.constant 0 : i32
    %dma_wait3A_93 = tpu.memref_slice %arg7[%add3A_85, %dma_wait3A_92] : memref<16384x128xf32, #tpu.memory_space<hbm>> -> memref<128x128xf32, #tpu.memory_space<hbm>>
    tpu.wait_dma2 semaphore(%arg23 : memref<!tpu.dma_semaphore, #tpu.memory_space<semaphore_mem>>) src(%arg15 : memref<128x128xf32, #tpu.memory_space<vmem>>) dst(%dma_wait3A_93 : memref<128x128xf32, #tpu.memory_space<hbm>>)
    %dma_start3A_94 = arith.constant 2 : i32
    %dma_start3A_95 = arith.constant 0 : i32
    %dma_start3A_96 = tpu.memref_slice %arg11[%dma_start3A_94, %dma_start3A_95] : memref<4x128xi32, #tpu.memory_space<vmem>> -> memref<1x128xi32, #tpu.memory_space<vmem>>
    %dma_start3A_97 = tpu.memref_squeeze %dma_start3A_96 : memref<1x128xi32, #tpu.memory_space<vmem>> -> memref<128xi32, #tpu.memory_space<vmem>>
    %dma_start3A_98 = arith.constant 0 : i32
    %dma_start3A_99 = arith.constant 0 : i32
    %dma_start3A_100 = tpu.memref_slice %arg6[%dma_start3A_98, %dma_start3A_99] : memref<500000x128xf32, #tpu.memory_space<hbm>> -> memref<500000x128xf32, #tpu.memory_space<hbm>>
    tpu.enqueue_indirect_dma source(%dma_start3A_100 : memref<500000x128xf32, #tpu.memory_space<hbm>>) target(%arg15 : memref<128x128xf32, #tpu.memory_space<vmem>>) offsets(%dma_start3A_97 : memref<128xi32, #tpu.memory_space<vmem>>) semaphore(%arg19 : memref<!tpu.dma_semaphore, #tpu.memory_space<semaphore_mem>>)
    %dma_wait3A_101 = arith.constant 3 : i32
    %dma_wait3A_102 = arith.constant 0 : i32
    %dma_wait3A_103 = tpu.memref_slice %arg10[%dma_wait3A_101, %dma_wait3A_102] : memref<4x128xi32, #tpu.memory_space<vmem>> -> memref<1x128xi32, #tpu.memory_space<vmem>>
    %dma_wait3A_104 = tpu.memref_squeeze %dma_wait3A_103 : memref<1x128xi32, #tpu.memory_space<vmem>> -> memref<128xi32, #tpu.memory_space<vmem>>
    %dma_wait3A_105 = arith.constant 0 : i32
    %dma_wait3A_106 = arith.constant 0 : i32
    %dma_wait3A_107 = tpu.memref_slice %arg5[%dma_wait3A_105, %dma_wait3A_106] : memref<500000x128xf32, #tpu.memory_space<hbm>> -> memref<500000x128xf32, #tpu.memory_space<hbm>>
    tpu.wait_indirect_dma semaphore(%arg20 : memref<!tpu.dma_semaphore, #tpu.memory_space<semaphore_mem>>) src(%dma_wait3A_107 : memref<500000x128xf32, #tpu.memory_space<hbm>>) dst(%arg16 : memref<128x128xf32, #tpu.memory_space<vmem>>)
    %add3A_108 = arith.constant 384 : i32
    %add3A_109 = arith.addi %mul3A_2, %add3A_108 : i32
    %dma_start3A_110 = arith.constant 0 : i32
    %dma_start3A_111 = tpu.memref_slice %arg7[%add3A_109, %dma_start3A_110] : memref<16384x128xf32, #tpu.memory_space<hbm>> -> memref<128x128xf32, #tpu.memory_space<hbm>>
    %dma_start3A_112 = arith.constant 0 : i32
    %dma_start3A_113 = tpu.memref_slice %arg7[%add3A_109, %dma_start3A_112] : memref<16384x128xf32, #tpu.memory_space<hbm>> -> memref<128x128xf32, #tpu.memory_space<hbm>>
    tpu.enqueue_dma source(%arg16 : memref<128x128xf32, #tpu.memory_space<vmem>>) target(%dma_start3A_113 : memref<128x128xf32, #tpu.memory_space<hbm>>) target_semaphore(%arg24 : memref<!tpu.dma_semaphore, #tpu.memory_space<semaphore_mem>>)
    %dma_wait3A_114 = arith.constant 0 : i32
    %dma_wait3A_115 = tpu.memref_slice %arg7[%add3A_109, %dma_wait3A_114] : memref<16384x128xf32, #tpu.memory_space<hbm>> -> memref<128x128xf32, #tpu.memory_space<hbm>>
    %dma_wait3A_116 = arith.constant 0 : i32
    %dma_wait3A_117 = tpu.memref_slice %arg7[%add3A_109, %dma_wait3A_116] : memref<16384x128xf32, #tpu.memory_space<hbm>> -> memref<128x128xf32, #tpu.memory_space<hbm>>
    tpu.wait_dma2 semaphore(%arg24 : memref<!tpu.dma_semaphore, #tpu.memory_space<semaphore_mem>>) src(%arg16 : memref<128x128xf32, #tpu.memory_space<vmem>>) dst(%dma_wait3A_117 : memref<128x128xf32, #tpu.memory_space<hbm>>)
    %dma_start3A_118 = arith.constant 3 : i32
    %dma_start3A_119 = arith.constant 0 : i32
    %dma_start3A_120 = tpu.memref_slice %arg11[%dma_start3A_118, %dma_start3A_119] : memref<4x128xi32, #tpu.memory_space<vmem>> -> memref<1x128xi32, #tpu.memory_space<vmem>>
    %dma_start3A_121 = tpu.memref_squeeze %dma_start3A_120 : memref<1x128xi32, #tpu.memory_space<vmem>> -> memref<128xi32, #tpu.memory_space<vmem>>
    %dma_start3A_122 = arith.constant 0 : i32
    %dma_start3A_123 = arith.constant 0 : i32
    %dma_start3A_124 = tpu.memref_slice %arg6[%dma_start3A_122, %dma_start3A_123] : memref<500000x128xf32, #tpu.memory_space<hbm>> -> memref<500000x128xf32, #tpu.memory_space<hbm>>
    tpu.enqueue_indirect_dma source(%dma_start3A_124 : memref<500000x128xf32, #tpu.memory_space<hbm>>) target(%arg16 : memref<128x128xf32, #tpu.memory_space<vmem>>) offsets(%dma_start3A_121 : memref<128xi32, #tpu.memory_space<vmem>>) semaphore(%arg20 : memref<!tpu.dma_semaphore, #tpu.memory_space<semaphore_mem>>)
    %dma_wait3A_125 = arith.constant 0 : i32
    %dma_wait3A_126 = arith.constant 0 : i32
    %dma_wait3A_127 = tpu.memref_slice %arg11[%dma_wait3A_125, %dma_wait3A_126] : memref<4x128xi32, #tpu.memory_space<vmem>> -> memref<1x128xi32, #tpu.memory_space<vmem>>
    %dma_wait3A_128 = tpu.memref_squeeze %dma_wait3A_127 : memref<1x128xi32, #tpu.memory_space<vmem>> -> memref<128xi32, #tpu.memory_space<vmem>>
    %dma_wait3A_129 = arith.constant 0 : i32
    %dma_wait3A_130 = arith.constant 0 : i32
    %dma_wait3A_131 = tpu.memref_slice %arg6[%dma_wait3A_129, %dma_wait3A_130] : memref<500000x128xf32, #tpu.memory_space<hbm>> -> memref<500000x128xf32, #tpu.memory_space<hbm>>
    tpu.wait_indirect_dma semaphore(%arg17 : memref<!tpu.dma_semaphore, #tpu.memory_space<semaphore_mem>>) src(%dma_wait3A_131 : memref<500000x128xf32, #tpu.memory_space<hbm>>) dst(%arg13 : memref<128x128xf32, #tpu.memory_space<vmem>>)
    %add3A_132 = arith.constant 0 : i32
    %add3A_133 = arith.addi %mul3A_2, %add3A_132 : i32
    %dma_start3A_134 = arith.constant 0 : i32
    %dma_start3A_135 = tpu.memref_slice %arg8[%add3A_133, %dma_start3A_134] : memref<16384x128xf32, #tpu.memory_space<hbm>> -> memref<128x128xf32, #tpu.memory_space<hbm>>
    %dma_start3A_136 = arith.constant 0 : i32
    %dma_start3A_137 = tpu.memref_slice %arg8[%add3A_133, %dma_start3A_136] : memref<16384x128xf32, #tpu.memory_space<hbm>> -> memref<128x128xf32, #tpu.memory_space<hbm>>
    tpu.enqueue_dma source(%arg13 : memref<128x128xf32, #tpu.memory_space<vmem>>) target(%dma_start3A_137 : memref<128x128xf32, #tpu.memory_space<hbm>>) target_semaphore(%arg21 : memref<!tpu.dma_semaphore, #tpu.memory_space<semaphore_mem>>)
    %dma_wait3A_138 = arith.constant 0 : i32
    %dma_wait3A_139 = tpu.memref_slice %arg8[%add3A_133, %dma_wait3A_138] : memref<16384x128xf32, #tpu.memory_space<hbm>> -> memref<128x128xf32, #tpu.memory_space<hbm>>
    %dma_wait3A_140 = arith.constant 0 : i32
    %dma_wait3A_141 = tpu.memref_slice %arg8[%add3A_133, %dma_wait3A_140] : memref<16384x128xf32, #tpu.memory_space<hbm>> -> memref<128x128xf32, #tpu.memory_space<hbm>>
    tpu.wait_dma2 semaphore(%arg21 : memref<!tpu.dma_semaphore, #tpu.memory_space<semaphore_mem>>) src(%arg13 : memref<128x128xf32, #tpu.memory_space<vmem>>) dst(%dma_wait3A_141 : memref<128x128xf32, #tpu.memory_space<hbm>>)
    %dma_start3A_142 = arith.constant 0 : i32
    %dma_start3A_143 = arith.constant 0 : i32
    %dma_start3A_144 = tpu.memref_slice %arg12[%dma_start3A_142, %dma_start3A_143] : memref<4x128xi32, #tpu.memory_space<vmem>> -> memref<1x128xi32, #tpu.memory_space<vmem>>
    %dma_start3A_145 = tpu.memref_squeeze %dma_start3A_144 : memref<1x128xi32, #tpu.memory_space<vmem>> -> memref<128xi32, #tpu.memory_space<vmem>>
    %dma_start3A_146 = arith.constant 0 : i32
    %dma_start3A_147 = arith.constant 0 : i32
    %dma_start3A_148 = tpu.memref_slice %arg5[%dma_start3A_146, %dma_start3A_147] : memref<500000x128xf32, #tpu.memory_space<hbm>> -> memref<500000x128xf32, #tpu.memory_space<hbm>>
    tpu.enqueue_indirect_dma source(%dma_start3A_148 : memref<500000x128xf32, #tpu.memory_space<hbm>>) target(%arg13 : memref<128x128xf32, #tpu.memory_space<vmem>>) offsets(%dma_start3A_145 : memref<128xi32, #tpu.memory_space<vmem>>) semaphore(%arg17 : memref<!tpu.dma_semaphore, #tpu.memory_space<semaphore_mem>>)
    %dma_wait3A_149 = arith.constant 1 : i32
    %dma_wait3A_150 = arith.constant 0 : i32
    %dma_wait3A_151 = tpu.memref_slice %arg11[%dma_wait3A_149, %dma_wait3A_150] : memref<4x128xi32, #tpu.memory_space<vmem>> -> memref<1x128xi32, #tpu.memory_space<vmem>>
    %dma_wait3A_152 = tpu.memref_squeeze %dma_wait3A_151 : memref<1x128xi32, #tpu.memory_space<vmem>> -> memref<128xi32, #tpu.memory_space<vmem>>
    %dma_wait3A_153 = arith.constant 0 : i32
    %dma_wait3A_154 = arith.constant 0 : i32
    %dma_wait3A_155 = tpu.memref_slice %arg6[%dma_wait3A_153, %dma_wait3A_154] : memref<500000x128xf32, #tpu.memory_space<hbm>> -> memref<500000x128xf32, #tpu.memory_space<hbm>>
    tpu.wait_indirect_dma semaphore(%arg18 : memref<!tpu.dma_semaphore, #tpu.memory_space<semaphore_mem>>) src(%dma_wait3A_155 : memref<500000x128xf32, #tpu.memory_space<hbm>>) dst(%arg14 : memref<128x128xf32, #tpu.memory_space<vmem>>)
    %add3A_156 = arith.constant 128 : i32
    %add3A_157 = arith.addi %mul3A_2, %add3A_156 : i32
    %dma_start3A_158 = arith.constant 0 : i32
    %dma_start3A_159 = tpu.memref_slice %arg8[%add3A_157, %dma_start3A_158] : memref<16384x128xf32, #tpu.memory_space<hbm>> -> memref<128x128xf32, #tpu.memory_space<hbm>>
    %dma_start3A_160 = arith.constant 0 : i32
    %dma_start3A_161 = tpu.memref_slice %arg8[%add3A_157, %dma_start3A_160] : memref<16384x128xf32, #tpu.memory_space<hbm>> -> memref<128x128xf32, #tpu.memory_space<hbm>>
    tpu.enqueue_dma source(%arg14 : memref<128x128xf32, #tpu.memory_space<vmem>>) target(%dma_start3A_161 : memref<128x128xf32, #tpu.memory_space<hbm>>) target_semaphore(%arg22 : memref<!tpu.dma_semaphore, #tpu.memory_space<semaphore_mem>>)
    %dma_wait3A_162 = arith.constant 0 : i32
    %dma_wait3A_163 = tpu.memref_slice %arg8[%add3A_157, %dma_wait3A_162] : memref<16384x128xf32, #tpu.memory_space<hbm>> -> memref<128x128xf32, #tpu.memory_space<hbm>>
    %dma_wait3A_164 = arith.constant 0 : i32
    %dma_wait3A_165 = tpu.memref_slice %arg8[%add3A_157, %dma_wait3A_164] : memref<16384x128xf32, #tpu.memory_space<hbm>> -> memref<128x128xf32, #tpu.memory_space<hbm>>
    tpu.wait_dma2 semaphore(%arg22 : memref<!tpu.dma_semaphore, #tpu.memory_space<semaphore_mem>>) src(%arg14 : memref<128x128xf32, #tpu.memory_space<vmem>>) dst(%dma_wait3A_165 : memref<128x128xf32, #tpu.memory_space<hbm>>)
    %dma_start3A_166 = arith.constant 1 : i32
    %dma_start3A_167 = arith.constant 0 : i32
    %dma_start3A_168 = tpu.memref_slice %arg12[%dma_start3A_166, %dma_start3A_167] : memref<4x128xi32, #tpu.memory_space<vmem>> -> memref<1x128xi32, #tpu.memory_space<vmem>>
    %dma_start3A_169 = tpu.memref_squeeze %dma_start3A_168 : memref<1x128xi32, #tpu.memory_space<vmem>> -> memref<128xi32, #tpu.memory_space<vmem>>
    %dma_start3A_170 = arith.constant 0 : i32
    %dma_start3A_171 = arith.constant 0 : i32
    %dma_start3A_172 = tpu.memref_slice %arg5[%dma_start3A_170, %dma_start3A_171] : memref<500000x128xf32, #tpu.memory_space<hbm>> -> memref<500000x128xf32, #tpu.memory_space<hbm>>
    tpu.enqueue_indirect_dma source(%dma_start3A_172 : memref<500000x128xf32, #tpu.memory_space<hbm>>) target(%arg14 : memref<128x128xf32, #tpu.memory_space<vmem>>) offsets(%dma_start3A_169 : memref<128xi32, #tpu.memory_space<vmem>>) semaphore(%arg18 : memref<!tpu.dma_semaphore, #tpu.memory_space<semaphore_mem>>)
    %dma_wait3A_173 = arith.constant 2 : i32
    %dma_wait3A_174 = arith.constant 0 : i32
    %dma_wait3A_175 = tpu.memref_slice %arg11[%dma_wait3A_173, %dma_wait3A_174] : memref<4x128xi32, #tpu.memory_space<vmem>> -> memref<1x128xi32, #tpu.memory_space<vmem>>
    %dma_wait3A_176 = tpu.memref_squeeze %dma_wait3A_175 : memref<1x128xi32, #tpu.memory_space<vmem>> -> memref<128xi32, #tpu.memory_space<vmem>>
    %dma_wait3A_177 = arith.constant 0 : i32
    %dma_wait3A_178 = arith.constant 0 : i32
    %dma_wait3A_179 = tpu.memref_slice %arg6[%dma_wait3A_177, %dma_wait3A_178] : memref<500000x128xf32, #tpu.memory_space<hbm>> -> memref<500000x128xf32, #tpu.memory_space<hbm>>
    tpu.wait_indirect_dma semaphore(%arg19 : memref<!tpu.dma_semaphore, #tpu.memory_space<semaphore_mem>>) src(%dma_wait3A_179 : memref<500000x128xf32, #tpu.memory_space<hbm>>) dst(%arg15 : memref<128x128xf32, #tpu.memory_space<vmem>>)
    %add3A_180 = arith.constant 256 : i32
    %add3A_181 = arith.addi %mul3A_2, %add3A_180 : i32
    %dma_start3A_182 = arith.constant 0 : i32
    %dma_start3A_183 = tpu.memref_slice %arg8[%add3A_181, %dma_start3A_182] : memref<16384x128xf32, #tpu.memory_space<hbm>> -> memref<128x128xf32, #tpu.memory_space<hbm>>
    %dma_start3A_184 = arith.constant 0 : i32
    %dma_start3A_185 = tpu.memref_slice %arg8[%add3A_181, %dma_start3A_184] : memref<16384x128xf32, #tpu.memory_space<hbm>> -> memref<128x128xf32, #tpu.memory_space<hbm>>
    tpu.enqueue_dma source(%arg15 : memref<128x128xf32, #tpu.memory_space<vmem>>) target(%dma_start3A_185 : memref<128x128xf32, #tpu.memory_space<hbm>>) target_semaphore(%arg23 : memref<!tpu.dma_semaphore, #tpu.memory_space<semaphore_mem>>)
    %dma_wait3A_186 = arith.constant 0 : i32
    %dma_wait3A_187 = tpu.memref_slice %arg8[%add3A_181, %dma_wait3A_186] : memref<16384x128xf32, #tpu.memory_space<hbm>> -> memref<128x128xf32, #tpu.memory_space<hbm>>
    %dma_wait3A_188 = arith.constant 0 : i32
    %dma_wait3A_189 = tpu.memref_slice %arg8[%add3A_181, %dma_wait3A_188] : memref<16384x128xf32, #tpu.memory_space<hbm>> -> memref<128x128xf32, #tpu.memory_space<hbm>>
    tpu.wait_dma2 semaphore(%arg23 : memref<!tpu.dma_semaphore, #tpu.memory_space<semaphore_mem>>) src(%arg15 : memref<128x128xf32, #tpu.memory_space<vmem>>) dst(%dma_wait3A_189 : memref<128x128xf32, #tpu.memory_space<hbm>>)
    %dma_start3A_190 = arith.constant 2 : i32
    %dma_start3A_191 = arith.constant 0 : i32
    %dma_start3A_192 = tpu.memref_slice %arg12[%dma_start3A_190, %dma_start3A_191] : memref<4x128xi32, #tpu.memory_space<vmem>> -> memref<1x128xi32, #tpu.memory_space<vmem>>
    %dma_start3A_193 = tpu.memref_squeeze %dma_start3A_192 : memref<1x128xi32, #tpu.memory_space<vmem>> -> memref<128xi32, #tpu.memory_space<vmem>>
    %dma_start3A_194 = arith.constant 0 : i32
    %dma_start3A_195 = arith.constant 0 : i32
    %dma_start3A_196 = tpu.memref_slice %arg5[%dma_start3A_194, %dma_start3A_195] : memref<500000x128xf32, #tpu.memory_space<hbm>> -> memref<500000x128xf32, #tpu.memory_space<hbm>>
    tpu.enqueue_indirect_dma source(%dma_start3A_196 : memref<500000x128xf32, #tpu.memory_space<hbm>>) target(%arg15 : memref<128x128xf32, #tpu.memory_space<vmem>>) offsets(%dma_start3A_193 : memref<128xi32, #tpu.memory_space<vmem>>) semaphore(%arg19 : memref<!tpu.dma_semaphore, #tpu.memory_space<semaphore_mem>>)
    %dma_wait3A_197 = arith.constant 3 : i32
    %dma_wait3A_198 = arith.constant 0 : i32
    %dma_wait3A_199 = tpu.memref_slice %arg11[%dma_wait3A_197, %dma_wait3A_198] : memref<4x128xi32, #tpu.memory_space<vmem>> -> memref<1x128xi32, #tpu.memory_space<vmem>>
    %dma_wait3A_200 = tpu.memref_squeeze %dma_wait3A_199 : memref<1x128xi32, #tpu.memory_space<vmem>> -> memref<128xi32, #tpu.memory_space<vmem>>
    %dma_wait3A_201 = arith.constant 0 : i32
    %dma_wait3A_202 = arith.constant 0 : i32
    %dma_wait3A_203 = tpu.memref_slice %arg6[%dma_wait3A_201, %dma_wait3A_202] : memref<500000x128xf32, #tpu.memory_space<hbm>> -> memref<500000x128xf32, #tpu.memory_space<hbm>>
    tpu.wait_indirect_dma semaphore(%arg20 : memref<!tpu.dma_semaphore, #tpu.memory_space<semaphore_mem>>) src(%dma_wait3A_203 : memref<500000x128xf32, #tpu.memory_space<hbm>>) dst(%arg16 : memref<128x128xf32, #tpu.memory_space<vmem>>)
    %add3A_204 = arith.constant 384 : i32
    %add3A_205 = arith.addi %mul3A_2, %add3A_204 : i32
    %dma_start3A_206 = arith.constant 0 : i32
    %dma_start3A_207 = tpu.memref_slice %arg8[%add3A_205, %dma_start3A_206] : memref<16384x128xf32, #tpu.memory_space<hbm>> -> memref<128x128xf32, #tpu.memory_space<hbm>>
    %dma_start3A_208 = arith.constant 0 : i32
    %dma_start3A_209 = tpu.memref_slice %arg8[%add3A_205, %dma_start3A_208] : memref<16384x128xf32, #tpu.memory_space<hbm>> -> memref<128x128xf32, #tpu.memory_space<hbm>>
    tpu.enqueue_dma source(%arg16 : memref<128x128xf32, #tpu.memory_space<vmem>>) target(%dma_start3A_209 : memref<128x128xf32, #tpu.memory_space<hbm>>) target_semaphore(%arg24 : memref<!tpu.dma_semaphore, #tpu.memory_space<semaphore_mem>>)
    %dma_wait3A_210 = arith.constant 0 : i32
    %dma_wait3A_211 = tpu.memref_slice %arg8[%add3A_205, %dma_wait3A_210] : memref<16384x128xf32, #tpu.memory_space<hbm>> -> memref<128x128xf32, #tpu.memory_space<hbm>>
    %dma_wait3A_212 = arith.constant 0 : i32
    %dma_wait3A_213 = tpu.memref_slice %arg8[%add3A_205, %dma_wait3A_212] : memref<16384x128xf32, #tpu.memory_space<hbm>> -> memref<128x128xf32, #tpu.memory_space<hbm>>
    tpu.wait_dma2 semaphore(%arg24 : memref<!tpu.dma_semaphore, #tpu.memory_space<semaphore_mem>>) src(%arg16 : memref<128x128xf32, #tpu.memory_space<vmem>>) dst(%dma_wait3A_213 : memref<128x128xf32, #tpu.memory_space<hbm>>)
    %dma_start3A_214 = arith.constant 3 : i32
    %dma_start3A_215 = arith.constant 0 : i32
    %dma_start3A_216 = tpu.memref_slice %arg12[%dma_start3A_214, %dma_start3A_215] : memref<4x128xi32, #tpu.memory_space<vmem>> -> memref<1x128xi32, #tpu.memory_space<vmem>>
    %dma_start3A_217 = tpu.memref_squeeze %dma_start3A_216 : memref<1x128xi32, #tpu.memory_space<vmem>> -> memref<128xi32, #tpu.memory_space<vmem>>
    %dma_start3A_218 = arith.constant 0 : i32
    %dma_start3A_219 = arith.constant 0 : i32
    %dma_start3A_220 = tpu.memref_slice %arg5[%dma_start3A_218, %dma_start3A_219] : memref<500000x128xf32, #tpu.memory_space<hbm>> -> memref<500000x128xf32, #tpu.memory_space<hbm>>
    tpu.enqueue_indirect_dma source(%dma_start3A_220 : memref<500000x128xf32, #tpu.memory_space<hbm>>) target(%arg16 : memref<128x128xf32, #tpu.memory_space<vmem>>) offsets(%dma_start3A_217 : memref<128xi32, #tpu.memory_space<vmem>>) semaphore(%arg20 : memref<!tpu.dma_semaphore, #tpu.memory_space<semaphore_mem>>)
    %dma_wait3A_221 = arith.constant 0 : i32
    %dma_wait3A_222 = arith.constant 0 : i32
    %dma_wait3A_223 = tpu.memref_slice %arg12[%dma_wait3A_221, %dma_wait3A_222] : memref<4x128xi32, #tpu.memory_space<vmem>> -> memref<1x128xi32, #tpu.memory_space<vmem>>
    %dma_wait3A_224 = tpu.memref_squeeze %dma_wait3A_223 : memref<1x128xi32, #tpu.memory_space<vmem>> -> memref<128xi32, #tpu.memory_space<vmem>>
    %dma_wait3A_225 = arith.constant 0 : i32
    %dma_wait3A_226 = arith.constant 0 : i32
    %dma_wait3A_227 = tpu.memref_slice %arg5[%dma_wait3A_225, %dma_wait3A_226] : memref<500000x128xf32, #tpu.memory_space<hbm>> -> memref<500000x128xf32, #tpu.memory_space<hbm>>
    tpu.wait_indirect_dma semaphore(%arg17 : memref<!tpu.dma_semaphore, #tpu.memory_space<semaphore_mem>>) src(%dma_wait3A_227 : memref<500000x128xf32, #tpu.memory_space<hbm>>) dst(%arg13 : memref<128x128xf32, #tpu.memory_space<vmem>>)
    %add3A_228 = arith.constant 0 : i32
    %add3A_229 = arith.addi %mul3A_2, %add3A_228 : i32
    %dma_start3A_230 = arith.constant 0 : i32
    %dma_start3A_231 = tpu.memref_slice %arg9[%add3A_229, %dma_start3A_230] : memref<16384x128xf32, #tpu.memory_space<hbm>> -> memref<128x128xf32, #tpu.memory_space<hbm>>
    %dma_start3A_232 = arith.constant 0 : i32
    %dma_start3A_233 = tpu.memref_slice %arg9[%add3A_229, %dma_start3A_232] : memref<16384x128xf32, #tpu.memory_space<hbm>> -> memref<128x128xf32, #tpu.memory_space<hbm>>
    tpu.enqueue_dma source(%arg13 : memref<128x128xf32, #tpu.memory_space<vmem>>) target(%dma_start3A_233 : memref<128x128xf32, #tpu.memory_space<hbm>>) target_semaphore(%arg21 : memref<!tpu.dma_semaphore, #tpu.memory_space<semaphore_mem>>)
    %dma_wait3A_234 = arith.constant 1 : i32
    %dma_wait3A_235 = arith.constant 0 : i32
    %dma_wait3A_236 = tpu.memref_slice %arg12[%dma_wait3A_234, %dma_wait3A_235] : memref<4x128xi32, #tpu.memory_space<vmem>> -> memref<1x128xi32, #tpu.memory_space<vmem>>
    %dma_wait3A_237 = tpu.memref_squeeze %dma_wait3A_236 : memref<1x128xi32, #tpu.memory_space<vmem>> -> memref<128xi32, #tpu.memory_space<vmem>>
    %dma_wait3A_238 = arith.constant 0 : i32
    %dma_wait3A_239 = arith.constant 0 : i32
    %dma_wait3A_240 = tpu.memref_slice %arg5[%dma_wait3A_238, %dma_wait3A_239] : memref<500000x128xf32, #tpu.memory_space<hbm>> -> memref<500000x128xf32, #tpu.memory_space<hbm>>
    tpu.wait_indirect_dma semaphore(%arg18 : memref<!tpu.dma_semaphore, #tpu.memory_space<semaphore_mem>>) src(%dma_wait3A_240 : memref<500000x128xf32, #tpu.memory_space<hbm>>) dst(%arg14 : memref<128x128xf32, #tpu.memory_space<vmem>>)
    %add3A_241 = arith.constant 128 : i32
    %add3A_242 = arith.addi %mul3A_2, %add3A_241 : i32
    %dma_start3A_243 = arith.constant 0 : i32
    %dma_start3A_244 = tpu.memref_slice %arg9[%add3A_242, %dma_start3A_243] : memref<16384x128xf32, #tpu.memory_space<hbm>> -> memref<128x128xf32, #tpu.memory_space<hbm>>
    %dma_start3A_245 = arith.constant 0 : i32
    %dma_start3A_246 = tpu.memref_slice %arg9[%add3A_242, %dma_start3A_245] : memref<16384x128xf32, #tpu.memory_space<hbm>> -> memref<128x128xf32, #tpu.memory_space<hbm>>
    tpu.enqueue_dma source(%arg14 : memref<128x128xf32, #tpu.memory_space<vmem>>) target(%dma_start3A_246 : memref<128x128xf32, #tpu.memory_space<hbm>>) target_semaphore(%arg22 : memref<!tpu.dma_semaphore, #tpu.memory_space<semaphore_mem>>)
    %dma_wait3A_247 = arith.constant 2 : i32
    %dma_wait3A_248 = arith.constant 0 : i32
    %dma_wait3A_249 = tpu.memref_slice %arg12[%dma_wait3A_247, %dma_wait3A_248] : memref<4x128xi32, #tpu.memory_space<vmem>> -> memref<1x128xi32, #tpu.memory_space<vmem>>
    %dma_wait3A_250 = tpu.memref_squeeze %dma_wait3A_249 : memref<1x128xi32, #tpu.memory_space<vmem>> -> memref<128xi32, #tpu.memory_space<vmem>>
    %dma_wait3A_251 = arith.constant 0 : i32
    %dma_wait3A_252 = arith.constant 0 : i32
    %dma_wait3A_253 = tpu.memref_slice %arg5[%dma_wait3A_251, %dma_wait3A_252] : memref<500000x128xf32, #tpu.memory_space<hbm>> -> memref<500000x128xf32, #tpu.memory_space<hbm>>
    tpu.wait_indirect_dma semaphore(%arg19 : memref<!tpu.dma_semaphore, #tpu.memory_space<semaphore_mem>>) src(%dma_wait3A_253 : memref<500000x128xf32, #tpu.memory_space<hbm>>) dst(%arg15 : memref<128x128xf32, #tpu.memory_space<vmem>>)
    %add3A_254 = arith.constant 256 : i32
    %add3A_255 = arith.addi %mul3A_2, %add3A_254 : i32
    %dma_start3A_256 = arith.constant 0 : i32
    %dma_start3A_257 = tpu.memref_slice %arg9[%add3A_255, %dma_start3A_256] : memref<16384x128xf32, #tpu.memory_space<hbm>> -> memref<128x128xf32, #tpu.memory_space<hbm>>
    %dma_start3A_258 = arith.constant 0 : i32
    %dma_start3A_259 = tpu.memref_slice %arg9[%add3A_255, %dma_start3A_258] : memref<16384x128xf32, #tpu.memory_space<hbm>> -> memref<128x128xf32, #tpu.memory_space<hbm>>
    tpu.enqueue_dma source(%arg15 : memref<128x128xf32, #tpu.memory_space<vmem>>) target(%dma_start3A_259 : memref<128x128xf32, #tpu.memory_space<hbm>>) target_semaphore(%arg23 : memref<!tpu.dma_semaphore, #tpu.memory_space<semaphore_mem>>)
    %dma_wait3A_260 = arith.constant 3 : i32
    %dma_wait3A_261 = arith.constant 0 : i32
    %dma_wait3A_262 = tpu.memref_slice %arg12[%dma_wait3A_260, %dma_wait3A_261] : memref<4x128xi32, #tpu.memory_space<vmem>> -> memref<1x128xi32, #tpu.memory_space<vmem>>
    %dma_wait3A_263 = tpu.memref_squeeze %dma_wait3A_262 : memref<1x128xi32, #tpu.memory_space<vmem>> -> memref<128xi32, #tpu.memory_space<vmem>>
    %dma_wait3A_264 = arith.constant 0 : i32
    %dma_wait3A_265 = arith.constant 0 : i32
    %dma_wait3A_266 = tpu.memref_slice %arg5[%dma_wait3A_264, %dma_wait3A_265] : memref<500000x128xf32, #tpu.memory_space<hbm>> -> memref<500000x128xf32, #tpu.memory_space<hbm>>
    tpu.wait_indirect_dma semaphore(%arg20 : memref<!tpu.dma_semaphore, #tpu.memory_space<semaphore_mem>>) src(%dma_wait3A_266 : memref<500000x128xf32, #tpu.memory_space<hbm>>) dst(%arg16 : memref<128x128xf32, #tpu.memory_space<vmem>>)
    %add3A_267 = arith.constant 384 : i32
    %add3A_268 = arith.addi %mul3A_2, %add3A_267 : i32
    %dma_start3A_269 = arith.constant 0 : i32
    %dma_start3A_270 = tpu.memref_slice %arg9[%add3A_268, %dma_start3A_269] : memref<16384x128xf32, #tpu.memory_space<hbm>> -> memref<128x128xf32, #tpu.memory_space<hbm>>
    %dma_start3A_271 = arith.constant 0 : i32
    %dma_start3A_272 = tpu.memref_slice %arg9[%add3A_268, %dma_start3A_271] : memref<16384x128xf32, #tpu.memory_space<hbm>> -> memref<128x128xf32, #tpu.memory_space<hbm>>
    tpu.enqueue_dma source(%arg16 : memref<128x128xf32, #tpu.memory_space<vmem>>) target(%dma_start3A_272 : memref<128x128xf32, #tpu.memory_space<hbm>>) target_semaphore(%arg24 : memref<!tpu.dma_semaphore, #tpu.memory_space<semaphore_mem>>)
    %dma_wait3A_273 = arith.constant 0 : i32
    %dma_wait3A_274 = tpu.memref_slice %arg9[%add3A_229, %dma_wait3A_273] : memref<16384x128xf32, #tpu.memory_space<hbm>> -> memref<128x128xf32, #tpu.memory_space<hbm>>
    %dma_wait3A_275 = arith.constant 0 : i32
    %dma_wait3A_276 = tpu.memref_slice %arg9[%add3A_229, %dma_wait3A_275] : memref<16384x128xf32, #tpu.memory_space<hbm>> -> memref<128x128xf32, #tpu.memory_space<hbm>>
    tpu.wait_dma2 semaphore(%arg21 : memref<!tpu.dma_semaphore, #tpu.memory_space<semaphore_mem>>) src(%arg13 : memref<128x128xf32, #tpu.memory_space<vmem>>) dst(%dma_wait3A_276 : memref<128x128xf32, #tpu.memory_space<hbm>>)
    %dma_wait3A_277 = arith.constant 0 : i32
    %dma_wait3A_278 = tpu.memref_slice %arg9[%add3A_242, %dma_wait3A_277] : memref<16384x128xf32, #tpu.memory_space<hbm>> -> memref<128x128xf32, #tpu.memory_space<hbm>>
    %dma_wait3A_279 = arith.constant 0 : i32
    %dma_wait3A_280 = tpu.memref_slice %arg9[%add3A_242, %dma_wait3A_279] : memref<16384x128xf32, #tpu.memory_space<hbm>> -> memref<128x128xf32, #tpu.memory_space<hbm>>
    tpu.wait_dma2 semaphore(%arg22 : memref<!tpu.dma_semaphore, #tpu.memory_space<semaphore_mem>>) src(%arg14 : memref<128x128xf32, #tpu.memory_space<vmem>>) dst(%dma_wait3A_280 : memref<128x128xf32, #tpu.memory_space<hbm>>)
    %dma_wait3A_281 = arith.constant 0 : i32
    %dma_wait3A_282 = tpu.memref_slice %arg9[%add3A_255, %dma_wait3A_281] : memref<16384x128xf32, #tpu.memory_space<hbm>> -> memref<128x128xf32, #tpu.memory_space<hbm>>
    %dma_wait3A_283 = arith.constant 0 : i32
    %dma_wait3A_284 = tpu.memref_slice %arg9[%add3A_255, %dma_wait3A_283] : memref<16384x128xf32, #tpu.memory_space<hbm>> -> memref<128x128xf32, #tpu.memory_space<hbm>>
    tpu.wait_dma2 semaphore(%arg23 : memref<!tpu.dma_semaphore, #tpu.memory_space<semaphore_mem>>) src(%arg15 : memref<128x128xf32, #tpu.memory_space<vmem>>) dst(%dma_wait3A_284 : memref<128x128xf32, #tpu.memory_space<hbm>>)
    %dma_wait3A_285 = arith.constant 0 : i32
    %dma_wait3A_286 = tpu.memref_slice %arg9[%add3A_268, %dma_wait3A_285] : memref<16384x128xf32, #tpu.memory_space<hbm>> -> memref<128x128xf32, #tpu.memory_space<hbm>>
    %dma_wait3A_287 = arith.constant 0 : i32
    %dma_wait3A_288 = tpu.memref_slice %arg9[%add3A_268, %dma_wait3A_287] : memref<16384x128xf32, #tpu.memory_space<hbm>> -> memref<128x128xf32, #tpu.memory_space<hbm>>
    tpu.wait_dma2 semaphore(%arg24 : memref<!tpu.dma_semaphore, #tpu.memory_space<semaphore_mem>>) src(%arg16 : memref<128x128xf32, #tpu.memory_space<vmem>>) dst(%dma_wait3A_288 : memref<128x128xf32, #tpu.memory_space<hbm>>)
    return
  }
}

module attributes {stable_mosaic.version = 14 : i64} {
  func.func @body(%arg0: i32, %arg1: memref<2048x128xf32, #tpu.memory_space<vmem>>, %arg2: memref<2048x128xf32, #tpu.memory_space<vmem>>, %arg3: memref<2048x128xf32, #tpu.memory_space<vmem>>, %arg4: memref<2048x1xi32, #tpu.memory_space<vmem>>, %arg5: memref<2048x1xi32, #tpu.memory_space<vmem>>, %arg6: memref<2048x1xi32, #tpu.memory_space<vmem>>, %arg7: memref<1x1xf32, #tpu.memory_space<vmem>>, %arg8: memref<1xf32, #tpu.memory_space<smem>>) attributes {dimension_semantics = [#tpu.dimension_semantics<arbitrary>], iteration_bounds = array<i64: 8>, scalar_prefetch = 0 : i64, scratch_operands = 1 : i64, tpu.core_type = #tpu.core_type<tc>, window_params = [{transform_indices = @transform_0, window_bounds = array<i64: 2048, 128>}, {transform_indices = @transform_1, window_bounds = array<i64: 2048, 128>}, {transform_indices = @transform_2, window_bounds = array<i64: 2048, 128>}, {transform_indices = @transform_3, window_bounds = array<i64: 2048, 1>}, {transform_indices = @transform_4, window_bounds = array<i64: 2048, 1>}, {transform_indices = @transform_5, window_bounds = array<i64: 2048, 1>}, {pipeline_mode = #tpu.pipeline_mode<synchronous>, transform_indices = @transform_6, window_bounds = array<i64: 1, 1>}]} {
    %eq3A = arith.constant 0 : i32
    %eq3A_0 = arith.cmpi eq, %arg0, %eq3A : i32
    %convert_element_type3A = arith.extui %eq3A_0 : i1 to i32
    %cond3A = arith.constant 0 : i32
    %cond3A_1 = arith.cmpi ne, %convert_element_type3A, %cond3A : i32
    scf.if %cond3A_1 {
      %swap3A_79 = arith.constant 0.000000e+00 : f32
      %swap3A_80 = arith.constant 0 : index
      %swap3A_81 = memref.load %arg8[%swap3A_80] : memref<1xf32, #tpu.memory_space<smem>>
      memref.store %swap3A_79, %arg8[%swap3A_80] : memref<1xf32, #tpu.memory_space<smem>>
    } else {
    }
    %get3A = arith.constant 0 : index
    %get3A_2 = arith.constant 0 : index
    %get3A_3 = vector.load %arg1[%get3A, %get3A_2] : memref<2048x128xf32, #tpu.memory_space<vmem>>, vector<2048x128xf32>
    %get3A_4 = arith.constant 0 : index
    %get3A_5 = arith.constant 0 : index
    %get3A_6 = vector.load %arg4[%get3A_4, %get3A_5] : memref<2048x1xi32, #tpu.memory_space<vmem>>, vector<2048x1xi32>
    %ne3A = arith.constant 0 : i32
    %ne3A_7 = vector.broadcast %ne3A : i32 to vector<2048x1xi32>
    %ne3A_8 = arith.cmpi ne, %get3A_6, %ne3A_7 : vector<2048x1xi32>
    %slice3A = vector.extract_strided_slice %get3A_3 {offsets = [0, 64], sizes = [2048, 64], strides = [1, 1]} : vector<2048x128xf32> to vector<2048x64xf32>
    %slice3A_9 = vector.extract_strided_slice %get3A_3 {offsets = [0, 0], sizes = [2048, 64], strides = [1, 1]} : vector<2048x128xf32> to vector<2048x64xf32>
    %broadcast_in_dim3A = vector.shape_cast %ne3A_8 : vector<2048x1xi1> to vector<2048x1xi1>
    %broadcast_in_dim3A_10 = vector.broadcast %broadcast_in_dim3A : vector<2048x1xi1> to vector<2048x64xi1>
    %select_n3A = arith.select %broadcast_in_dim3A_10, %slice3A, %slice3A_9 : vector<2048x64xi1>, vector<2048x64xf32>
    %get3A_11 = arith.constant 0 : index
    %get3A_12 = arith.constant 0 : index
    %get3A_13 = vector.load %arg2[%get3A_11, %get3A_12] : memref<2048x128xf32, #tpu.memory_space<vmem>>, vector<2048x128xf32>
    %get3A_14 = arith.constant 0 : index
    %get3A_15 = arith.constant 0 : index
    %get3A_16 = vector.load %arg5[%get3A_14, %get3A_15] : memref<2048x1xi32, #tpu.memory_space<vmem>>, vector<2048x1xi32>
    %ne3A_17 = arith.constant 0 : i32
    %ne3A_18 = vector.broadcast %ne3A_17 : i32 to vector<2048x1xi32>
    %ne3A_19 = arith.cmpi ne, %get3A_16, %ne3A_18 : vector<2048x1xi32>
    %slice3A_20 = vector.extract_strided_slice %get3A_13 {offsets = [0, 64], sizes = [2048, 64], strides = [1, 1]} : vector<2048x128xf32> to vector<2048x64xf32>
    %slice3A_21 = vector.extract_strided_slice %get3A_13 {offsets = [0, 0], sizes = [2048, 64], strides = [1, 1]} : vector<2048x128xf32> to vector<2048x64xf32>
    %broadcast_in_dim3A_22 = vector.shape_cast %ne3A_19 : vector<2048x1xi1> to vector<2048x1xi1>
    %broadcast_in_dim3A_23 = vector.broadcast %broadcast_in_dim3A_22 : vector<2048x1xi1> to vector<2048x64xi1>
    %select_n3A_24 = arith.select %broadcast_in_dim3A_23, %slice3A_20, %slice3A_21 : vector<2048x64xi1>, vector<2048x64xf32>
    %get3A_25 = arith.constant 0 : index
    %get3A_26 = arith.constant 0 : index
    %get3A_27 = vector.load %arg3[%get3A_25, %get3A_26] : memref<2048x128xf32, #tpu.memory_space<vmem>>, vector<2048x128xf32>
    %get3A_28 = arith.constant 0 : index
    %get3A_29 = arith.constant 0 : index
    %get3A_30 = vector.load %arg6[%get3A_28, %get3A_29] : memref<2048x1xi32, #tpu.memory_space<vmem>>, vector<2048x1xi32>
    %ne3A_31 = arith.constant 0 : i32
    %ne3A_32 = vector.broadcast %ne3A_31 : i32 to vector<2048x1xi32>
    %ne3A_33 = arith.cmpi ne, %get3A_30, %ne3A_32 : vector<2048x1xi32>
    %slice3A_34 = vector.extract_strided_slice %get3A_27 {offsets = [0, 64], sizes = [2048, 64], strides = [1, 1]} : vector<2048x128xf32> to vector<2048x64xf32>
    %slice3A_35 = vector.extract_strided_slice %get3A_27 {offsets = [0, 0], sizes = [2048, 64], strides = [1, 1]} : vector<2048x128xf32> to vector<2048x64xf32>
    %broadcast_in_dim3A_36 = vector.shape_cast %ne3A_33 : vector<2048x1xi1> to vector<2048x1xi1>
    %broadcast_in_dim3A_37 = vector.broadcast %broadcast_in_dim3A_36 : vector<2048x1xi1> to vector<2048x64xi1>
    %select_n3A_38 = arith.select %broadcast_in_dim3A_37, %slice3A_34, %slice3A_35 : vector<2048x64xi1>, vector<2048x64xf32>
    %mul3A = arith.mulf %select_n3A, %select_n3A_24 : vector<2048x64xf32>
    %reduce_sum3A = arith.constant dense<0.000000e+00> : vector<2048xf32>
    %reduce_sum3A_39 = vector.multi_reduction <add>, %mul3A, %reduce_sum3A [1] : vector<2048x64xf32> to vector<2048xf32>
    %mul3A_40 = arith.mulf %select_n3A_38, %select_n3A_24 : vector<2048x64xf32>
    %reduce_sum3A_41 = arith.constant dense<0.000000e+00> : vector<2048xf32>
    %reduce_sum3A_42 = vector.multi_reduction <add>, %mul3A_40, %reduce_sum3A_41 [1] : vector<2048x64xf32> to vector<2048xf32>
    %get3A_43 = arith.constant 0 : index
    %get3A_44 = memref.load %arg8[%get3A_43] : memref<1xf32, #tpu.memory_space<smem>>
    %min3A = arith.constant 0.000000e+00 : f32
    %min3A_45 = vector.broadcast %min3A : f32 to vector<2048xf32>
    %min3A_46 = arith.minimumf %reduce_sum3A_39, %min3A_45 : vector<2048xf32>
    %abs3A = math.absf %reduce_sum3A_39 : vector<2048xf32>
    %neg3A = arith.constant 0.000000e+00 : f32
    %neg3A_47 = vector.broadcast %neg3A : f32 to vector<2048xf32>
    %neg3A_48 = arith.subf %neg3A_47, %abs3A : vector<2048xf32>
    %exp3A = math.exp %neg3A_48 : vector<2048xf32>
    %log1p3A = math.log1p %exp3A : vector<2048xf32>
    %sub3A = arith.subf %min3A_46, %log1p3A : vector<2048xf32>
    %reduce_sum3A_49 = vector.shape_cast %sub3A : vector<2048xf32> to vector<1x2048xf32>
    %reduce_sum3A_50 = arith.constant dense<0.000000e+00> : vector<1xf32>
    %reduce_sum3A_51 = vector.multi_reduction <add>, %reduce_sum3A_49, %reduce_sum3A_50 [1] : vector<1x2048xf32> to vector<1xf32>
    %reduce_sum3A_52 = vector.shape_cast %reduce_sum3A_51 : vector<1xf32> to vector<1x1xf32>
    %reduce_sum3A_53 = vector.extract %reduce_sum3A_52[0, 0] : f32 from vector<1x1xf32>
    %neg3A_54 = arith.constant 0.000000e+00 : f32
    %neg3A_55 = vector.broadcast %neg3A_54 : f32 to vector<2048xf32>
    %neg3A_56 = arith.subf %neg3A_55, %reduce_sum3A_42 : vector<2048xf32>
    %min3A_57 = arith.constant 0.000000e+00 : f32
    %min3A_58 = vector.broadcast %min3A_57 : f32 to vector<2048xf32>
    %min3A_59 = arith.minimumf %neg3A_56, %min3A_58 : vector<2048xf32>
    %abs3A_60 = math.absf %neg3A_56 : vector<2048xf32>
    %neg3A_61 = arith.constant 0.000000e+00 : f32
    %neg3A_62 = vector.broadcast %neg3A_61 : f32 to vector<2048xf32>
    %neg3A_63 = arith.subf %neg3A_62, %abs3A_60 : vector<2048xf32>
    %exp3A_64 = math.exp %neg3A_63 : vector<2048xf32>
    %log1p3A_65 = math.log1p %exp3A_64 : vector<2048xf32>
    %sub3A_66 = arith.subf %min3A_59, %log1p3A_65 : vector<2048xf32>
    %reduce_sum3A_67 = vector.shape_cast %sub3A_66 : vector<2048xf32> to vector<1x2048xf32>
    %reduce_sum3A_68 = arith.constant dense<0.000000e+00> : vector<1xf32>
    %reduce_sum3A_69 = vector.multi_reduction <add>, %reduce_sum3A_67, %reduce_sum3A_68 [1] : vector<1x2048xf32> to vector<1xf32>
    %reduce_sum3A_70 = vector.shape_cast %reduce_sum3A_69 : vector<1xf32> to vector<1x1xf32>
    %reduce_sum3A_71 = vector.extract %reduce_sum3A_70[0, 0] : f32 from vector<1x1xf32>
    %add3A = arith.addf %reduce_sum3A_53, %reduce_sum3A_71 : f32
    %add3A_72 = arith.addf %get3A_44, %add3A : f32
    %swap3A = arith.constant 0 : index
    %swap3A_73 = memref.load %arg8[%swap3A] : memref<1xf32, #tpu.memory_space<smem>>
    memref.store %add3A_72, %arg8[%swap3A] : memref<1xf32, #tpu.memory_space<smem>>
    %eq3A_74 = arith.constant 7 : i32
    %eq3A_75 = arith.cmpi eq, %arg0, %eq3A_74 : i32
    %convert_element_type3A_76 = arith.extui %eq3A_75 : i1 to i32
    %cond3A_77 = arith.constant 0 : i32
    %cond3A_78 = arith.cmpi ne, %convert_element_type3A_76, %cond3A_77 : i32
    scf.if %cond3A_78 {
      %get3A_79 = arith.constant 0 : index
      %get3A_80 = memref.load %arg8[%get3A_79] : memref<1xf32, #tpu.memory_space<smem>>
      %neg3A_81 = arith.constant 0.000000e+00 : f32
      %neg3A_82 = arith.subf %neg3A_81, %get3A_80 : f32
      %broadcast_in_dim3A_83 = vector.broadcast %neg3A_82 : f32 to vector<1x1xf32>
      %swap3A_84 = arith.constant 0 : index
      %swap3A_85 = arith.constant 0 : index
      %swap3A_86 = vector.load %arg7[%swap3A_84, %swap3A_85] : memref<1x1xf32, #tpu.memory_space<vmem>>, vector<1x1xf32>
      tpu.vector_store %arg7[%swap3A_84, %swap3A_85], %broadcast_in_dim3A_83 {strides = array<i32>} : memref<1x1xf32, #tpu.memory_space<vmem>>, vector<1x1xf32>,
    } else {
    }
    return
  }
  func.func @transform_0(%arg0: i32) -> (i32, i32) {
    %c0_i32 = arith.constant 0 : i32
    %c0_i32_0 = arith.constant 0 : i32
    return %arg0, %c0_i32 : i32, i32
  }
  func.func @transform_1(%arg0: i32) -> (i32, i32) {
    %c0_i32 = arith.constant 0 : i32
    %c0_i32_0 = arith.constant 0 : i32
    return %arg0, %c0_i32 : i32, i32
  }
  func.func @transform_2(%arg0: i32) -> (i32, i32) {
    %c0_i32 = arith.constant 0 : i32
    %c0_i32_0 = arith.constant 0 : i32
    return %arg0, %c0_i32 : i32, i32
  }
  func.func @transform_3(%arg0: i32) -> (i32, i32) {
    %c0_i32 = arith.constant 0 : i32
    %c0_i32_0 = arith.constant 0 : i32
    return %arg0, %c0_i32 : i32, i32
  }
  func.func @transform_4(%arg0: i32) -> (i32, i32) {
    %c0_i32 = arith.constant 0 : i32
    %c0_i32_0 = arith.constant 0 : i32
    return %arg0, %c0_i32 : i32, i32
  }
  func.func @transform_5(%arg0: i32) -> (i32, i32) {
    %c0_i32 = arith.constant 0 : i32
    %c0_i32_0 = arith.constant 0 : i32
    return %arg0, %c0_i32 : i32, i32
  }
  func.func @transform_6(%arg0: i32) -> (i32, i32) {
    %c0_i32 = arith.constant 0 : i32
    %c0_i32_0 = arith.constant 0 : i32
    %c0_i32_1 = arith.constant 0 : i32
    return %c0_i32, %c0_i32_0 : i32, i32
  }
}

</mosaic_0001>

<sc_bundles>
// kernel: kernel.4.cloned.1.call-start
scs
__scs_entry_jumppad:
0x0: {  	(pc) =	sbr.rel $0x88, $3  }
0x1: {  	(tag) =	ssettag $0x0;
	lr =	simm.s32 $0x1  }
0x2: {  	[smem:$0x3F9C] =	sst lr;
	_ =	strace $0xD0000000  }
0x3: {  	_ = 	snop  }
0x4: {  	_ = 	snop  }
0x5: {  	_ = 	snop  }
0x6: {  	_ = 	snop  }
0x7: {  	_ = 	snop  }
__scs_overlays_trampoline_lowered:
0x8: {  	[smem:$0x3FAB] =	sst s0  }
0x9: {  	[smem:$0x3FAC] =	sst s1  }
0xa: {  	[smem:$0x3FAD] =	sst s2  }
0xb: {  	[smem:$0x3FAE] =	sst s3  }
0xc: {  	[smem:$0x3FAF] =	sst s4  }
0xd: {  	[smem:$0x3FB0] =	sst s5  }
0xe: {  	[smem:$0x3FB1] =	sst s6  }
0xf: {  	[smem:$0x3FB2] =	sst s7  }
0x10: {  	[smem:$0x3FB3] =	sst s8  }
0x11: {  	[smem:$0x3FB4] =	sst s9;
	s0 =	simm.s32 @!p0 $0x0  }
0x12: {  	s1 =	sld [smem:$0x3F9A];
	s0 =	simm.s32 @p0 $0x1  }
0x13: {  	[smem:$0x3FB5] =	sst s0;
	s0 =	simm.s32 @!p1 $0x0  }
0x14: {  	s2 =	sld [smem:$0x3F99];
	s0 =	simm.s32 @p1 $0x1  }
0x15: {  	[smem:$0x3FB6] =	sst s0;
	s0 =	simm.s32 @!p2 $0x0  }
0x16: {  	s3 =	sld [smem:$0x3FDB];
	s0 =	simm.s32 @p2 $0x1  }
0x17: {  	s4 =	simm.s32 $0x1BF5;
	[smem:$0x3FB8] =	sst s0  }
0x18: {  	s0 =	sld [smem:$0x3F9B];
	_ =	swait.ge [sflag:s4], $0x0  }
0x19: {  	s7 =	sld [smem:$0x3F9C]  }
0x1a: {  	s8 =	sadd.s32 $0xFFFFE003, lr  }
0x1b: {  	s9 =	sadd.s32 $0xFFFFFEF7, lr;
	s5 =	simm.s32 $0xFFFFFFFF;
	p2 =	slt.u32 s8, $0xFFFFF086  }
0x1c: {  	p1 =	slt.u32 s9, $0xF7A;
	s5 =	simm.s32 @!p2 $0x0  }
0x1d: {  	s5 =	simm.s32 @p1 $0x1;
	p0 =	seq.s32 s7, s2  }
0x1e: {  	s7 =	smul.u32 @!p0 $0xF7A, s2;
	p2 =	seq.s32 @!p0 s5, $0x0  }
0x1f: {  	s9 =	smul.u32 $0xF7A, s1;
	s8 =	simm.s32 @!p0 $0x1BF5;
	p2 =	por !p2, p0  }
0x20: {  	[sflag:s8] =	ssyncset.s32 @!p0 $0xFFFFF086;
	s6 =	sadd.s32 @!p0 s3, s7;
	s7 =	simm.s32 @!p0 $0x108  }
0x21: {  	s3 =	sadd.s32 s3, s9;
	s6 =	sadd.s32 @!p0 $0x88, s6;
	s7 =	simm.s32 @p2 $0x1082  }
0x22: {  	[simem:s7], [sflag:s8] =	dma.local @!p0 [hbm:s6], $0xF7A  }
0x23: {  	s9 =	sor.u32 $0xD0000000, s2;
	s6 =	simm.s32 $0x108;
	_ =	swait.ge @!p0 [sflag:s8], $0x0  }
0x24: {  	s3 =	sadd.s32 $0x88, s3;
	s6 =	simm.s32 @!p1 $0x1082;
	[sflag:s4] =	ssyncset.s32 $0xFFFFF086  }
0x25: {  	[simem:s6], [sflag:s4] =	dma.local [hbm:s3], $0xF7A  }
0x26: {  	[smem:$0x3F9C] =	sst s1;
	(tag) =	ssettag s2;
	_ =	strace s9  }
0x27: {  	s1 =	sld [smem:$0x3FAC]  }
0x28: {  	s2 =	sld [smem:$0x3FAD]  }
0x29: {  	s4 =	sld [smem:$0x3FAF]  }
0x2a: {  	p0 =	seq.s32 s5, $0x0;
	s5 =	sld [smem:$0x3FB0]  }
0x2b: {  	s6 =	sld [smem:$0x3FB1]  }
0x2c: {  	s7 =	sld [smem:$0x3FB2]  }
0x2d: {  	s3 =	simm.s32 $0x108;
	s8 =	sld [smem:$0x3FB3]  }
0x2e: {  	s3 =	simm.s32 @!p0 $0x1082;
	s9 =	sld [smem:$0x3FB4]  }
0x2f: {  	lr =	sadd.s32 s0, s3;
	s0 =	sld [smem:$0x3FAB]  }
0x30: {  	s3 =	sld [smem:$0x3FAE]  }
0x31: {  	[smem:$0x3FB7] =	sst s10  }
0x32: {  	s10 =	sld [smem:$0x3FB5];
	_ =	sdelay $0x3  }
0x33: {  	p0 =	seq.s32 s10, $0x1;
	s10 =	sld [smem:$0x3FB7];
	_ =	sdelay $0x3  }
0x34: {  	[smem:$0x3FB7] =	sst s10  }
0x35: {  	s10 =	sld [smem:$0x3FB6];
	_ =	sdelay $0x3  }
0x36: {  	p1 =	seq.s32 s10, $0x1;
	s10 =	sld [smem:$0x3FB7];
	_ =	sdelay $0x3  }
0x37: {  	[smem:$0x3FB7] =	sst s10  }
0x38: {  	s10 =	sld [smem:$0x3FB8]  }
0x39: {  	_ = 	snop;
	(pc) =	sbr.ind lr, $3  }
0x3a: {  	_ = 	snop  }
0x3b: {  	_ = 	snop  }
0x3c: {  	p2 =	seq.s32 s10, $0x1;
	s10 =	sld [smem:$0x3FB7]  }
0x3d: {  	_ =	shalt  }
0x3e: {  	_ =	shalt  }
0x3f: {  	_ =	shalt  }
0x40: {  	_ =	shalt  }
0x41: {  	_ =	shalt  }
0x42: {  	_ =	shalt  }
0x43: {  	_ =	shalt  }
0x44: {  	_ =	shalt  }
0x45: {  	_ =	shalt  }
0x46: {  	_ =	shalt  }
0x47: {  	_ =	shalt  }
0x48: {  	_ =	shalt  }
0x49: {  	_ =	shalt  }
0x4a: {  	_ =	shalt  }
0x4b: {  	_ =	shalt  }
0x4c: {  	_ =	shalt  }
0x4d: {  	_ =	shalt  }
0x4e: {  	_ =	shalt  }
0x4f: {  	_ =	shalt  }
0x50: {  	_ =	shalt  }
0x51: {  	_ =	shalt  }
0x52: {  	_ =	shalt  }
0x53: {  	_ =	shalt  }
0x54: {  	_ =	shalt  }
0x55: {  	_ =	shalt  }
0x56: {  	_ =	shalt  }
0x57: {  	_ =	shalt  }
0x58: {  	_ =	shalt  }
0x59: {  	_ =	shalt  }
0x5a: {  	_ =	shalt  }
0x5b: {  	_ =	shalt  }
0x5c: {  	_ =	shalt  }
0x5d: {  	_ =	shalt  }
0x5e: {  	_ =	shalt  }
0x5f: {  	_ =	shalt  }
0x60: {  	_ =	shalt  }
0x61: {  	_ =	shalt  }
0x62: {  	_ =	shalt  }
0x63: {  	_ =	shalt  }
0x64: {  	_ =	shalt  }
0x65: {  	_ =	shalt  }
0x66: {  	_ =	shalt  }
0x67: {  	_ =	shalt  }
0x68: {  	_ =	shalt  }
0x69: {  	_ =	shalt  }
0x6a: {  	_ =	shalt  }
0x6b: {  	_ =	shalt  }
0x6c: {  	_ =	shalt  }
0x6d: {  	_ =	shalt  }
0x6e: {  	_ =	shalt  }
0x6f: {  	_ =	shalt  }
0x70: {  	_ =	shalt  }
0x71: {  	_ =	shalt  }
0x72: {  	_ =	shalt  }
0x73: {  	_ =	shalt  }
0x74: {  	_ =	shalt  }
0x75: {  	_ =	shalt  }
0x76: {  	_ =	shalt  }
0x77: {  	_ =	shalt  }
0x78: {  	_ =	shalt  }
0x79: {  	_ =	shalt  }
0x7a: {  	_ =	shalt  }
0x7b: {  	_ =	shalt  }
0x7c: {  	_ =	shalt  }
0x7d: {  	_ =	shalt  }
0x7e: {  	_ =	shalt  }
0x7f: {  	_ =	shalt  }
0x80: {  	_ =	shalt  }
0x81: {  	_ =	shalt  }
0x82: {  	_ =	shalt  }
0x83: {  	_ =	shalt  }
0x84: {  	_ =	shalt  }
0x85: {  	_ =	shalt  }
0x86: {  	_ =	shalt  }
0x87: {  	_ =	shalt  }
.Lfunc_end0:
.L_simem_size_0:
called_computation_lowered:
.L_overlay_start_0:
0x88: {  	s2 =	sld [smem:$0x3FD9]  }
0x89: {  	s3 =	sld [smem:$0x3FFE];
	_ =	sdelay $0x1  }
0x8a: {  	s1 =	srdreg.scid  }
0x8b: {  	s0 =	sand.u32 $0x1, s1  }
0x8c: {  	s16 =	sshll.u32 s0, $0xA;
	s2 =	sadd.s32 s3, s2  }
0x8d: {  	s2 =	sadd.s32 s2, s16  }
0x8e: {  	[smem:$0x3FC3] =	sst s2  }
0x8f: {  	_ = 	snop  }
0x90: {  	(tm) =	ssettm $0x1  }
0x91: {  	s17 =	sld [smem:$0x3FFB];
	_ =	sdelay $0x3  }
0x92: {  	_ =	strace s17  }
0x93: {  	s2 =	sld [smem:$0x3FFC];
	_ =	sdelay $0x3  }
0x94: {  	_ =	strace s2  }
0x95: {  	s2 =	sld [smem:$0x3FFD];
	_ =	sdelay $0x3  }
0x96: {  	_ =	strace s2  }
0x97: {  	_ =	strace $0x8FFFFFFF  }
0x98: {  	s18 =	sld [smem:$0x3FDB];
	_ =	sdelay $0x1  }
0x99: {  	s19 =	simm.s32 $_scs_section_size  }
0x9a: {  	s4 =	simm.s32 $_size__tile_overlayer_lowered;
	s5 =	simm.s32 $_tile_overlayer_lowered  }
0x9b: {  	s22 =	simm.s32 $0x1BFF;
	s21 =	sshll.u32 s5, $0x1;
	s2 =	sadd.s32 s19, s18  }
0x9c: {  	s6 =	simm.s32 $0x0;
	s20 =	sshll.u32 s4, $0x1;
	s4 =	sadd.s32 s21, s2  }
0x9d: {  	[timem:s6], [sflag:s22] =	dma.local [hbm:s4], s20  }
0x9e: {  	_ =	swait.ge [sflag:s22], s20  }
0x9f: {  	s3 =	ssub.s32 $0x0, s20;
	[sflag:s22] =	ssyncset.done $0x0  }
0xa0: {  	[sflag:s22] =	ssyncadd.s32 s3;
	_ =	sdelay $0x1  }
0xa1: {  	s23 =	simm.s32 $0x1B8B  }
0xa2: {  	_ =	swait.ge [sflag:s23], $0x1  }
0xa3: {  	[sflag:s23] =	ssyncset.done $0x0  }
0xa4: {  	s25 =	simm.s32 $0x1B8E;
	s24 =	sld [smem:$0x3FFE];
	[sflag:s23] =	ssyncadd.s32 $0xFFFFFFFF  }
0xa5: {  	s26 =	simm.s32 $execute0_lowered;
	[smem:$0x3FD2] =	sst s25  }
0xa6: {  	s4 =	sshll.u32 s26, $0x1;
	_ =	strace $0x80000046;
	[dreg:$0x1] =	wrdreg $0xFFFFFFFF  }
0xa7: {  	s28 =	simm.s32 $_size_execute0_lowered;
	s2 =	sadd.s32 s2, s4;
	[dreg:$0x0] =	wrdreg $0x0  }
0xa8: {  	s4 =	sshll.u32 s28, $0x1;
	[dreg:$0x2] =	wrdreg s2  }
0xa9: {  	[dreg:$0x3] =	wrdreg s4  }
0xaa: {  	[dreg:$0x4] =	wrdreg $0xC0  }
0xab: {  	_ =	task [dreg:s6], $0x5FFFF  }
0xac: {  	[dreg:$0x1] =	wrdreg $0xFFFFFFFF  }
0xad: {  	[dreg:$0x0] =	wrdreg $0x60  }
0xae: {  	[dreg:$0x2] =	wrdreg s24  }
0xaf: {  	[dreg:$0x3] =	wrdreg $0x9  }
0xb0: {  	_ =	task.clear_ibuf [dreg:s6], $0x4FFFF;
	_ =	strace $0x90000046  }
0xb1: {  	s29 =	simm.s32 $0x9;
	_ =	strace $0x80000048  }
0xb2: {  	_ =	swait.ge [sflag:s29], $0x1  }
0xb3: {  	[sflag:s29] =	ssyncadd.s32 $0xFFFFFFFF  }
0xb4: {  	_ =	strace $0x90000048  }
0xb5: {  	_ =	sfence  }
0xb6: {  	s30 =	sld [smem:$0x0];
	_ =	sdelay $0x2  }
0xb7: {  	s31 =	sshll.u32 s1, $0xD;
	s1 =	sshrl.u32 s1, $0x2  }
0xb8: {  	s3 =	sand.u32 $0x4000, s31;
	s1 =	sadd.s32 s1, s30  }
0xb9: {  	s0 =	sor.u32 s3, s0;
	s1 =	sshll.u32 s1, $0x11  }
0xba: {  	s0 =	sor.u32 s1, s0  }
0xbb: {  	s0 =	sadd.s32 $0x8F2B, s0  }
0xbc: {  	[sflag:s0] =	ssyncadd.remote.s32 $0x1  }
0xbd: {  	_ =	sfence.sel $0xFFFF  }
0xbe: {  	[dreg:$0x0] =	wrdreg $0xFFFFFFFF;
	(pc) =	sbr.abs _section_cstart, $3  }
0xbf: {  	[dreg:$0x1] =	wrdreg $0xFFFFFFFF  }
0xc0: {  	_ =	task.clear_ibuf [dreg:s6], $0x2FFFF;
	_ =	strace $0x9FFFFFFF  }
0xc1: {  	(tm) =	ssettm $0x7FFFFFFF  }
tec
execute0_lowered:
.L_overlay_start_1:
0x0: {  	(tag) =	ssettag $0x1  }
0x1: {  	s0 =	srdreg.scid  }
0x2: {  	s1 =	stileid.u32;
	s4 =	rddreg [dreg:$0x0];
	s29 =	simm.s32 $0x9  }
0x3: {  	s13 =	simm.s32 $0x600;
	s12 =	simm.s32 $0x4600;
	s30 =	simm.s32 $0x100  }
0x4: {  	s11 =	simm.s32 $0x8600;
	s31 =	simm.s32 $0x180;
	s28 =	simm.s32 $0x280  }
0x5: {  	s14 =	simm.s32 $0x3;
	p0 =	por $0x0, $0x0;
	s10 =	simm.s32 $0x8  }
0x6: {  	s0 =	sand.u32 $0x1, s0;
	s1 =	sshll.u32 s1, $0xA;
	s6 =	sadd.s32 $0x4800, s4  }
0x7: {  	s9 =	sadd.s32 $0x44800, s4;
	s2 =	sshll.u32 s0, $0x9;
	s0 =	ssub.s32 $0x2, s0  }
0x8: {  	s1 =	sor.u32 s2, s1;
	s2 =	simm.s32 $0x0;
	s25 =	sshrl.u32 s0, $0x1  }
0x9: {  	s3 =	sshrl.u32 s1, $0x3;
	[smem:$0x7FF] =	sst s2;
	s1 =	sshll.u32 s1, $0x4  }
0xa: {  	s0 =	ssub.s32 s0, s25;
	s25 =	simm.s32 $0x300;
	s3 =	sadd.s32 s3, s4  }
0xb: {  	_ =	strace $0x80000047;
	s16 =	sadd.s32 s6, s1;
	s17 =	sor.u32 $0x800, s1  }
0xc: {  	s7 =	sor.u32 $0x1000, s1;
	s21 =	sadd.s32 s9, s1;
	[dreg:$0x5] =	wrdreg s16  }
0xd: {  	s8 =	sor.u32 $0x1800, s1;
	s5 =	sadd.s32 $0x2000, s3;
	[dreg:$0x9] =	wrdreg s21  }
0xe: {  	s0 =	smax.u32 s0, $0x1;
	s15 =	sadd.s32 $0x3000, s3;
	[dreg:$0x2] =	wrdreg s5  }
0xf: {  	s3 =	sadd.s32 $0x4000, s3;
	s18 =	sadd.s32 s6, s17;
	[dreg:$0x3] =	wrdreg s15  }
0x10: {  	s19 =	sadd.s32 s6, s7;
	s20 =	sadd.s32 s6, s8;
	[dreg:$0x4] =	wrdreg s3  }
0x11: {  	s22 =	sadd.s32 s9, s17;
	s23 =	sadd.s32 s9, s7;
	[dreg:$0x6] =	wrdreg s18  }
0x12: {  	s24 =	sadd.s32 s9, s8;
	s21 =	simm.s32 $0x400;
	[dreg:$0x7] =	wrdreg s19  }
0x13: {  	s9 =	simm.s32 $0xC600;
	s16 =	simm.s32 $0x2;
	[dreg:$0x8] =	wrdreg s20  }
0x14: {  	s6 =	simm.s32 $0x6;
	p1 =	sne.s32 s0, $0x1;
	[dreg:$0xa] =	wrdreg s22  }
0x15: {  	s3 =	sadd.s32 $0xF46C00, s4;
	s19 =	sadd.s32 $0x16E7E00, s4;
	[dreg:$0xb] =	wrdreg s23  }
0x16: {  	s4 =	sadd.s32 $0x84800, s4;
	[dreg:$0xc] =	wrdreg s24;
	s15 =	simm.s32 $0x80  }
0x17: {  	s18 =	simm.s32 $0x1;
	s24 =	simm.s32 $0x380;
	s23 =	simm.s32 $0x480  }
.Ltmp0:
0x18: {  	s22 =	simm.s32 $0x500;
	s20 =	simm.s32 $0x580;
	(pc) =	sbr.rel @!p1 .LBB2_3-.Ltmp0, $4  }
0x19: {  	s1 =	sadd.s32 s4, s1;
	s26 =	sadd.s32 s4, s17;
	s5 =	sadd.s32 s4, s7  }
0x1a: {  	s4 =	sadd.s32 s4, s8;
	s8 =	simm.s32 $0x5;
	[dreg:$0xd] =	wrdreg s1  }
0x1b: {  	s7 =	simm.s32 $0x7;
	s17 =	simm.s32 $0x4;
	[dreg:$0xe] =	wrdreg s26  }
0x1c: {  	s26 =	simm.s32 $0x200;
	s1 =	sadd.s32 $0xFFFFFFFF, s0;
	s0 =	rddreg [dreg:$0x2]  }
0x1d: {  	[tilespmem:s2], [sflag:$0x9] =	stream.linear.gather [hbm4b:s0+s2], $0x200, $0x38;
	[tilespmem:$0x10600] =	vst v63  }
0x1e: {  	_ =	swait.ge [sflag:s29], $0x200  }
0x1f: {  	[sflag:s29] =	ssyncset.done $0x0  }
0x20: {  	s0 =	rddreg [dreg:$0x3];
	[sflag:s29] =	ssyncadd.s32 $0xFFFFFE00  }
0x21: {  	[tilespmem:s26], [sflag:$0x9] =	stream.linear.gather [hbm4b:s0+s2], $0x200, $0x38;
	[tilespmem:$0x10600] =	vst v63  }
0x22: {  	_ =	swait.ge [sflag:s29], $0x200  }
0x23: {  	[sflag:s29] =	ssyncset.done $0x0  }
0x24: {  	s0 =	rddreg [dreg:$0x4];
	[sflag:s29] =	ssyncadd.s32 $0xFFFFFE00  }
0x25: {  	[tilespmem:s21], [sflag:$0x9] =	stream.linear.gather [hbm4b:s0+s2], $0x200, $0x38;
	[tilespmem:$0x10600] =	vst v63  }
0x26: {  	_ =	swait.ge [sflag:s29], $0x200  }
0x27: {  	[sflag:s29] =	ssyncset.done $0x0  }
0x28: {  	[sflag:s29] =	ssyncadd.s32 $0xFFFFFE00  }
0x29: {  	[tilespmem:s13], [sflag:$0x1] =	stream.indirect.gather [hbm4b:s3+s15], $0x80, s2, s15, $0xb8;
	[tilespmem:$0x10600] =	vst v63  }
0x2a: {  	_ = 	snop  }
0x2b: {  	[tilespmem:s12], [sflag:$0x2] =	stream.indirect.gather [hbm4b:s3+s15], $0x80, s15, s15, $0xb8;
	[tilespmem:$0x10600] =	vst v63  }
0x2c: {  	_ = 	snop  }
0x2d: {  	[tilespmem:s11], [sflag:$0x3] =	stream.indirect.gather [hbm4b:s3+s15], $0x80, s30, s15, $0xb8;
	[tilespmem:$0x10600] =	vst v63  }
0x2e: {  	_ = 	snop  }
0x2f: {  	[tilespmem:s9], [sflag:$0x4] =	stream.indirect.gather [hbm4b:s3+s15], $0x80, s31, s15, $0xb8;
	[tilespmem:$0x10600] =	vst v63  }
0x30: {  	_ =	swait.ge [sflag:s18], $0x4000  }
0x31: {  	[sflag:s18] =	ssyncset.done $0x0  }
0x32: {  	s0 =	rddreg [dreg:$0x5];
	[sflag:s18] =	ssyncadd.s32 $0xFFFFC000  }
0x33: {  	[hbm4b:s0+s2] =	stream.linear.scatter [tilespmem:s13], [sflag:$0x5], $0x4000, $0x38;
	[tilespmem:$0x10600] =	vst v63  }
0x34: {  	_ =	swait.ge [sflag:s8], $0x4000  }
0x35: {  	[sflag:s8] =	ssyncset.done $0x0  }
0x36: {  	[sflag:s8] =	ssyncadd.s32 $0xFFFFC000  }
0x37: {  	[tilespmem:s13], [sflag:$0x1] =	stream.indirect.gather [hbm4b:s19+s15], $0x80, s26, s15, $0xb8;
	[tilespmem:$0x10600] =	vst v63  }
0x38: {  	_ =	swait.ge [sflag:s16], $0x4000  }
0x39: {  	[sflag:s16] =	ssyncset.done $0x0  }
0x3a: {  	s0 =	rddreg [dreg:$0x6];
	[sflag:s16] =	ssyncadd.s32 $0xFFFFC000  }
0x3b: {  	[hbm4b:s0+s2] =	stream.linear.scatter [tilespmem:s12], [sflag:$0x6], $0x4000, $0x38;
	[tilespmem:$0x10600] =	vst v63  }
0x3c: {  	_ =	swait.ge [sflag:s6], $0x4000  }
0x3d: {  	[sflag:s6] =	ssyncset.done $0x0  }
0x3e: {  	[sflag:s6] =	ssyncadd.s32 $0xFFFFC000  }
0x3f: {  	[tilespmem:s12], [sflag:$0x2] =	stream.indirect.gather [hbm4b:s19+s15], $0x80, s28, s15, $0xb8;
	[tilespmem:$0x10600] =	vst v63  }
0x40: {  	_ =	swait.ge [sflag:s14], $0x4000  }
0x41: {  	[sflag:s14] =	ssyncset.done $0x0  }
0x42: {  	s0 =	rddreg [dreg:$0x7];
	[sflag:s14] =	ssyncadd.s32 $0xFFFFC000  }
0x43: {  	[hbm4b:s0+s2] =	stream.linear.scatter [tilespmem:s11], [sflag:$0x7], $0x4000, $0x38;
	[tilespmem:$0x10600] =	vst v63  }
0x44: {  	_ =	swait.ge [sflag:s7], $0x4000  }
0x45: {  	[sflag:s7] =	ssyncset.done $0x0  }
0x46: {  	[sflag:s7] =	ssyncadd.s32 $0xFFFFC000  }
0x47: {  	[tilespmem:s11], [sflag:$0x3] =	stream.indirect.gather [hbm4b:s19+s15], $0x80, s25, s15, $0xb8;
	[tilespmem:$0x10600] =	vst v63  }
0x48: {  	_ =	swait.ge [sflag:s17], $0x4000  }
0x49: {  	[sflag:s17] =	ssyncset.done $0x0  }
0x4a: {  	s0 =	rddreg [dreg:$0x8];
	[sflag:s17] =	ssyncadd.s32 $0xFFFFC000  }
0x4b: {  	[hbm4b:s0+s2] =	stream.linear.scatter [tilespmem:s9], [sflag:$0x8], $0x4000, $0x38;
	[tilespmem:$0x10600] =	vst v63  }
0x4c: {  	_ =	swait.ge [sflag:s10], $0x4000  }
0x4d: {  	[sflag:s10] =	ssyncset.done $0x0  }
0x4e: {  	[sflag:s10] =	ssyncadd.s32 $0xFFFFC000  }
0x4f: {  	[tilespmem:s9], [sflag:$0x4] =	stream.indirect.gather [hbm4b:s19+s15], $0x80, s24, s15, $0xb8;
	[tilespmem:$0x10600] =	vst v63  }
0x50: {  	_ =	swait.ge [sflag:s18], $0x4000  }
0x51: {  	[sflag:s18] =	ssyncset.done $0x0  }
0x52: {  	s0 =	rddreg [dreg:$0x9];
	[sflag:s18] =	ssyncadd.s32 $0xFFFFC000  }
0x53: {  	[hbm4b:s0+s2] =	stream.linear.scatter [tilespmem:s13], [sflag:$0x5], $0x4000, $0x38;
	[tilespmem:$0x10600] =	vst v63  }
0x54: {  	_ =	swait.ge [sflag:s8], $0x4000  }
0x55: {  	[sflag:s8] =	ssyncset.done $0x0  }
0x56: {  	[sflag:s8] =	ssyncadd.s32 $0xFFFFC000  }
0x57: {  	[tilespmem:s13], [sflag:$0x1] =	stream.indirect.gather [hbm4b:s3+s15], $0x80, s21, s15, $0xb8;
	[tilespmem:$0x10600] =	vst v63  }
0x58: {  	_ =	swait.ge [sflag:s16], $0x4000  }
0x59: {  	[sflag:s16] =	ssyncset.done $0x0  }
0x5a: {  	s0 =	rddreg [dreg:$0xa];
	[sflag:s16] =	ssyncadd.s32 $0xFFFFC000  }
0x5b: {  	[hbm4b:s0+s2] =	stream.linear.scatter [tilespmem:s12], [sflag:$0x6], $0x4000, $0x38;
	[tilespmem:$0x10600] =	vst v63  }
0x5c: {  	_ =	swait.ge [sflag:s6], $0x4000  }
0x5d: {  	[sflag:s6] =	ssyncset.done $0x0  }
0x5e: {  	[sflag:s6] =	ssyncadd.s32 $0xFFFFC000  }
0x5f: {  	[tilespmem:s12], [sflag:$0x2] =	stream.indirect.gather [hbm4b:s3+s15], $0x80, s23, s15, $0xb8;
	[tilespmem:$0x10600] =	vst v63  }
0x60: {  	_ =	swait.ge [sflag:s14], $0x4000  }
0x61: {  	[sflag:s14] =	ssyncset.done $0x0  }
0x62: {  	s0 =	rddreg [dreg:$0xb];
	[sflag:s14] =	ssyncadd.s32 $0xFFFFC000  }
0x63: {  	[hbm4b:s0+s2] =	stream.linear.scatter [tilespmem:s11], [sflag:$0x7], $0x4000, $0x38;
	[tilespmem:$0x10600] =	vst v63  }
0x64: {  	_ =	swait.ge [sflag:s7], $0x4000  }
0x65: {  	[sflag:s7] =	ssyncset.done $0x0  }
0x66: {  	[sflag:s7] =	ssyncadd.s32 $0xFFFFC000  }
0x67: {  	[tilespmem:s11], [sflag:$0x3] =	stream.indirect.gather [hbm4b:s3+s15], $0x80, s22, s15, $0xb8;
	[tilespmem:$0x10600] =	vst v63  }
0x68: {  	_ =	swait.ge [sflag:s17], $0x4000  }
0x69: {  	[sflag:s17] =	ssyncset.done $0x0  }
0x6a: {  	s0 =	rddreg [dreg:$0xc];
	[sflag:s17] =	ssyncadd.s32 $0xFFFFC000  }
0x6b: {  	[hbm4b:s0+s2] =	stream.linear.scatter [tilespmem:s9], [sflag:$0x8], $0x4000, $0x38;
	[tilespmem:$0x10600] =	vst v63  }
0x6c: {  	_ =	swait.ge [sflag:s10], $0x4000  }
0x6d: {  	[sflag:s10] =	ssyncset.done $0x0  }
0x6e: {  	[sflag:s10] =	ssyncadd.s32 $0xFFFFC000  }
0x6f: {  	[tilespmem:s9], [sflag:$0x4] =	stream.indirect.gather [hbm4b:s3+s15], $0x80, s20, s15, $0xb8;
	[tilespmem:$0x10600] =	vst v63  }
0x70: {  	_ =	swait.ge [sflag:s18], $0x4000  }
0x71: {  	[sflag:s18] =	ssyncset.done $0x0  }
0x72: {  	s0 =	rddreg [dreg:$0xd];
	[sflag:s18] =	ssyncadd.s32 $0xFFFFC000  }
0x73: {  	[hbm4b:s0+s2] =	stream.linear.scatter [tilespmem:s13], [sflag:$0x5], $0x4000, $0x38;
	[tilespmem:$0x10600] =	vst v63  }
0x74: {  	_ =	swait.ge [sflag:s16], $0x4000  }
0x75: {  	[sflag:s16] =	ssyncset.done $0x0  }
0x76: {  	s0 =	rddreg [dreg:$0xe];
	[sflag:s16] =	ssyncadd.s32 $0xFFFFC000  }
0x77: {  	[hbm4b:s0+s2] =	stream.linear.scatter [tilespmem:s12], [sflag:$0x6], $0x4000, $0x38;
	[tilespmem:$0x10600] =	vst v63  }
0x78: {  	_ =	swait.ge [sflag:s14], $0x4000  }
0x79: {  	[sflag:s14] =	ssyncset.done $0x0  }
0x7a: {  	[sflag:s14] =	ssyncadd.s32 $0xFFFFC000  }
0x7b: {  	[hbm4b:s5+s2] =	stream.linear.scatter [tilespmem:s11], [sflag:$0x7], $0x4000, $0x38;
	[tilespmem:$0x10600] =	vst v63  }
0x7c: {  	_ =	swait.ge [sflag:s17], $0x4000  }
0x7d: {  	[sflag:s17] =	ssyncset.done $0x0  }
0x7e: {  	[sflag:s17] =	ssyncadd.s32 $0xFFFFC000  }
0x7f: {  	[hbm4b:s4+s2] =	stream.linear.scatter [tilespmem:s9], [sflag:$0x8], $0x4000, $0x38;
	[tilespmem:$0x10600] =	vst v63  }
0x80: {  	_ =	swait.ge [sflag:s8], $0x4000  }
0x81: {  	[sflag:s8] =	ssyncset.done $0x0  }
0x82: {  	[sflag:s8] =	ssyncadd.s32 $0xFFFFC000  }
0x83: {  	_ =	swait.ge [sflag:s6], $0x4000  }
0x84: {  	[sflag:s6] =	ssyncset.done $0x0  }
0x85: {  	p1 =	sne.s32 s1, $0x1;
	[sflag:s6] =	ssyncadd.s32 $0xFFFFC000  }
.Ltmp1:
0x86: {  	_ =	swait.ge [sflag:s7], $0x4000;
	(pc) =	sbr.rel @!p1 .LBB2_3-.Ltmp1, $4  }
0x87: {  	[sflag:s7] =	ssyncset.done $0x0  }
0x88: {  	[sflag:s7] =	ssyncadd.s32 $0xFFFFC000  }
0x89: {  	s1 =	sadd.s32 $0xFFFFFFFF, s1;
	_ =	swait.ge [sflag:s10], $0x4000  }
0x8a: {  	p0 =	por $0x1, $0x1;
	s0 =	rddreg [dreg:$0x2];
	[sflag:s10] =	ssyncset.done $0x0  }
.LBB2_2:
0x8b: {  	[sflag:s10] =	ssyncadd.s32 $0xFFFFC000  }
0x8c: {  	[tilespmem:s2], [sflag:$0x9] =	stream.linear.gather [hbm4b:s0+s2], $0x200, $0x38;
	[tilespmem:$0x10600] =	vst v63  }
0x8d: {  	_ =	swait.ge [sflag:s29], $0x200  }
0x8e: {  	[sflag:s29] =	ssyncset.done $0x0  }
0x8f: {  	s0 =	rddreg [dreg:$0x3];
	[sflag:s29] =	ssyncadd.s32 $0xFFFFFE00  }
0x90: {  	[tilespmem:s26], [sflag:$0x9] =	stream.linear.gather [hbm4b:s0+s2], $0x200, $0x38;
	[tilespmem:$0x10600] =	vst v63  }
0x91: {  	_ =	swait.ge [sflag:s29], $0x200  }
0x92: {  	[sflag:s29] =	ssyncset.done $0x0  }
0x93: {  	s0 =	rddreg [dreg:$0x4];
	[sflag:s29] =	ssyncadd.s32 $0xFFFFFE00  }
0x94: {  	[tilespmem:s21], [sflag:$0x9] =	stream.linear.gather [hbm4b:s0+s2], $0x200, $0x38;
	[tilespmem:$0x10600] =	vst v63  }
0x95: {  	_ =	swait.ge [sflag:s29], $0x200  }
0x96: {  	[sflag:s29] =	ssyncset.done $0x0  }
0x97: {  	[sflag:s29] =	ssyncadd.s32 $0xFFFFFE00  }
0x98: {  	[tilespmem:s13], [sflag:$0x1] =	stream.indirect.gather [hbm4b:s3+s15], $0x80, s2, s15, $0xb8;
	[tilespmem:$0x10600] =	vst v63  }
0x99: {  	_ = 	snop  }
0x9a: {  	[tilespmem:s12], [sflag:$0x2] =	stream.indirect.gather [hbm4b:s3+s15], $0x80, s15, s15, $0xb8;
	[tilespmem:$0x10600] =	vst v63  }
0x9b: {  	_ = 	snop  }
0x9c: {  	[tilespmem:s11], [sflag:$0x3] =	stream.indirect.gather [hbm4b:s3+s15], $0x80, s30, s15, $0xb8;
	[tilespmem:$0x10600] =	vst v63  }
0x9d: {  	_ = 	snop  }
0x9e: {  	[tilespmem:s9], [sflag:$0x4] =	stream.indirect.gather [hbm4b:s3+s15], $0x80, s31, s15, $0xb8;
	[tilespmem:$0x10600] =	vst v63  }
0x9f: {  	_ =	swait.ge [sflag:s18], $0x4000  }
0xa0: {  	[sflag:s18] =	ssyncset.done $0x0  }
0xa1: {  	s0 =	rddreg [dreg:$0x5];
	[sflag:s18] =	ssyncadd.s32 $0xFFFFC000  }
0xa2: {  	[hbm4b:s0+s2] =	stream.linear.scatter [tilespmem:s13], [sflag:$0x5], $0x4000, $0x38;
	[tilespmem:$0x10600] =	vst v63  }
0xa3: {  	_ =	swait.ge [sflag:s8], $0x4000  }
0xa4: {  	[sflag:s8] =	ssyncset.done $0x0  }
0xa5: {  	[sflag:s8] =	ssyncadd.s32 $0xFFFFC000  }
0xa6: {  	[tilespmem:s13], [sflag:$0x1] =	stream.indirect.gather [hbm4b:s19+s15], $0x80, s26, s15, $0xb8;
	[tilespmem:$0x10600] =	vst v63  }
0xa7: {  	_ =	swait.ge [sflag:s16], $0x4000  }
0xa8: {  	[sflag:s16] =	ssyncset.done $0x0  }
0xa9: {  	s0 =	rddreg [dreg:$0x6];
	[sflag:s16] =	ssyncadd.s32 $0xFFFFC000  }
0xaa: {  	[hbm4b:s0+s2] =	stream.linear.scatter [tilespmem:s12], [sflag:$0x6], $0x4000, $0x38;
	[tilespmem:$0x10600] =	vst v63  }
0xab: {  	_ =	swait.ge [sflag:s6], $0x4000  }
0xac: {  	[sflag:s6] =	ssyncset.done $0x0  }
0xad: {  	[sflag:s6] =	ssyncadd.s32 $0xFFFFC000  }
0xae: {  	[tilespmem:s12], [sflag:$0x2] =	stream.indirect.gather [hbm4b:s19+s15], $0x80, s28, s15, $0xb8;
	[tilespmem:$0x10600] =	vst v63  }
0xaf: {  	_ =	swait.ge [sflag:s14], $0x4000  }
0xb0: {  	[sflag:s14] =	ssyncset.done $0x0  }
0xb1: {  	s0 =	rddreg [dreg:$0x7];
	[sflag:s14] =	ssyncadd.s32 $0xFFFFC000  }
0xb2: {  	[hbm4b:s0+s2] =	stream.linear.scatter [tilespmem:s11], [sflag:$0x7], $0x4000, $0x38;
	[tilespmem:$0x10600] =	vst v63  }
0xb3: {  	_ =	swait.ge [sflag:s7], $0x4000  }
0xb4: {  	[sflag:s7] =	ssyncset.done $0x0  }
0xb5: {  	[sflag:s7] =	ssyncadd.s32 $0xFFFFC000  }
0xb6: {  	[tilespmem:s11], [sflag:$0x3] =	stream.indirect.gather [hbm4b:s19+s15], $0x80, s25, s15, $0xb8;
	[tilespmem:$0x10600] =	vst v63  }
0xb7: {  	_ =	swait.ge [sflag:s17], $0x4000  }
0xb8: {  	[sflag:s17] =	ssyncset.done $0x0  }
0xb9: {  	s0 =	rddreg [dreg:$0x8];
	[sflag:s17] =	ssyncadd.s32 $0xFFFFC000  }
0xba: {  	[hbm4b:s0+s2] =	stream.linear.scatter [tilespmem:s9], [sflag:$0x8], $0x4000, $0x38;
	[tilespmem:$0x10600] =	vst v63  }
0xbb: {  	_ =	swait.ge [sflag:s10], $0x4000  }
0xbc: {  	[sflag:s10] =	ssyncset.done $0x0  }
0xbd: {  	[sflag:s10] =	ssyncadd.s32 $0xFFFFC000  }
0xbe: {  	[tilespmem:s9], [sflag:$0x4] =	stream.indirect.gather [hbm4b:s19+s15], $0x80, s24, s15, $0xb8;
	[tilespmem:$0x10600] =	vst v63  }
0xbf: {  	_ =	swait.ge [sflag:s18], $0x4000  }
0xc0: {  	[sflag:s18] =	ssyncset.done $0x0  }
0xc1: {  	s0 =	rddreg [dreg:$0x9];
	[sflag:s18] =	ssyncadd.s32 $0xFFFFC000  }
0xc2: {  	[hbm4b:s0+s2] =	stream.linear.scatter [tilespmem:s13], [sflag:$0x5], $0x4000, $0x38;
	[tilespmem:$0x10600] =	vst v63  }
0xc3: {  	_ =	swait.ge [sflag:s8], $0x4000  }
0xc4: {  	[sflag:s8] =	ssyncset.done $0x0  }
0xc5: {  	[sflag:s8] =	ssyncadd.s32 $0xFFFFC000  }
0xc6: {  	[tilespmem:s13], [sflag:$0x1] =	stream.indirect.gather [hbm4b:s3+s15], $0x80, s21, s15, $0xb8;
	[tilespmem:$0x10600] =	vst v63  }
0xc7: {  	_ =	swait.ge [sflag:s16], $0x4000  }
0xc8: {  	[sflag:s16] =	ssyncset.done $0x0  }
0xc9: {  	s0 =	rddreg [dreg:$0xa];
	[sflag:s16] =	ssyncadd.s32 $0xFFFFC000  }
0xca: {  	[hbm4b:s0+s2] =	stream.linear.scatter [tilespmem:s12], [sflag:$0x6], $0x4000, $0x38;
	[tilespmem:$0x10600] =	vst v63  }
0xcb: {  	_ =	swait.ge [sflag:s6], $0x4000  }
0xcc: {  	[sflag:s6] =	ssyncset.done $0x0  }
0xcd: {  	[sflag:s6] =	ssyncadd.s32 $0xFFFFC000  }
0xce: {  	[tilespmem:s12], [sflag:$0x2] =	stream.indirect.gather [hbm4b:s3+s15], $0x80, s23, s15, $0xb8;
	[tilespmem:$0x10600] =	vst v63  }
0xcf: {  	_ =	swait.ge [sflag:s14], $0x4000  }
0xd0: {  	[sflag:s14] =	ssyncset.done $0x0  }
0xd1: {  	s0 =	rddreg [dreg:$0xb];
	[sflag:s14] =	ssyncadd.s32 $0xFFFFC000  }
0xd2: {  	[hbm4b:s0+s2] =	stream.linear.scatter [tilespmem:s11], [sflag:$0x7], $0x4000, $0x38;
	[tilespmem:$0x10600] =	vst v63  }
0xd3: {  	_ =	swait.ge [sflag:s7], $0x4000  }
0xd4: {  	[sflag:s7] =	ssyncset.done $0x0  }
0xd5: {  	[sflag:s7] =	ssyncadd.s32 $0xFFFFC000  }
0xd6: {  	[tilespmem:s11], [sflag:$0x3] =	stream.indirect.gather [hbm4b:s3+s15], $0x80, s22, s15, $0xb8;
	[tilespmem:$0x10600] =	vst v63  }
0xd7: {  	_ =	swait.ge [sflag:s17], $0x4000  }
0xd8: {  	[sflag:s17] =	ssyncset.done $0x0  }
0xd9: {  	s0 =	rddreg [dreg:$0xc];
	[sflag:s17] =	ssyncadd.s32 $0xFFFFC000  }
0xda: {  	[hbm4b:s0+s2] =	stream.linear.scatter [tilespmem:s9], [sflag:$0x8], $0x4000, $0x38;
	[tilespmem:$0x10600] =	vst v63  }
0xdb: {  	_ =	swait.ge [sflag:s10], $0x4000  }
0xdc: {  	[sflag:s10] =	ssyncset.done $0x0  }
0xdd: {  	[sflag:s10] =	ssyncadd.s32 $0xFFFFC000  }
0xde: {  	[tilespmem:s9], [sflag:$0x4] =	stream.indirect.gather [hbm4b:s3+s15], $0x80, s20, s15, $0xb8;
	[tilespmem:$0x10600] =	vst v63  }
0xdf: {  	_ =	swait.ge [sflag:s18], $0x4000  }
0xe0: {  	[sflag:s18] =	ssyncset.done $0x0  }
0xe1: {  	s0 =	rddreg [dreg:$0xd];
	[sflag:s18] =	ssyncadd.s32 $0xFFFFC000  }
0xe2: {  	[hbm4b:s0+s2] =	stream.linear.scatter [tilespmem:s13], [sflag:$0x5], $0x4000, $0x38;
	[tilespmem:$0x10600] =	vst v63  }
0xe3: {  	_ =	swait.ge [sflag:s16], $0x4000  }
0xe4: {  	[sflag:s16] =	ssyncset.done $0x0  }
0xe5: {  	s0 =	rddreg [dreg:$0xe];
	[sflag:s16] =	ssyncadd.s32 $0xFFFFC000  }
0xe6: {  	[hbm4b:s0+s2] =	stream.linear.scatter [tilespmem:s12], [sflag:$0x6], $0x4000, $0x38;
	[tilespmem:$0x10600] =	vst v63  }
0xe7: {  	_ =	swait.ge [sflag:s14], $0x4000  }
0xe8: {  	[sflag:s14] =	ssyncset.done $0x0  }
0xe9: {  	[sflag:s14] =	ssyncadd.s32 $0xFFFFC000  }
0xea: {  	[hbm4b:s5+s2] =	stream.linear.scatter [tilespmem:s11], [sflag:$0x7], $0x4000, $0x38;
	[tilespmem:$0x10600] =	vst v63  }
0xeb: {  	_ =	swait.ge [sflag:s17], $0x4000  }
0xec: {  	[sflag:s17] =	ssyncset.done $0x0  }
0xed: {  	[sflag:s17] =	ssyncadd.s32 $0xFFFFC000  }
0xee: {  	[hbm4b:s4+s2] =	stream.linear.scatter [tilespmem:s9], [sflag:$0x8], $0x4000, $0x38;
	[tilespmem:$0x10600] =	vst v63  }
0xef: {  	_ =	swait.ge [sflag:s8], $0x4000  }
0xf0: {  	[sflag:s8] =	ssyncset.done $0x0  }
0xf1: {  	[sflag:s8] =	ssyncadd.s32 $0xFFFFC000  }
0xf2: {  	_ =	swait.ge [sflag:s6], $0x4000  }
0xf3: {  	[sflag:s6] =	ssyncset.done $0x0  }
0xf4: {  	p1 =	sne.s32 s1, $0x1;
	[sflag:s6] =	ssyncadd.s32 $0xFFFFC000  }
.Ltmp2:
0xf5: {  	_ =	swait.ge [sflag:s7], $0x4000;
	(pc) =	sbr.rel @p1 .LBB2_2-.Ltmp2, $4  }
0xf6: {  	[sflag:s7] =	ssyncset.done $0x0  }
0xf7: {  	[sflag:s7] =	ssyncadd.s32 $0xFFFFC000  }
0xf8: {  	_ =	swait.ge [sflag:s10], $0x4000  }
0xf9: {  	s1 =	sadd.s32 $0xFFFFFFFF, s1;
	s0 =	rddreg [dreg:$0x2];
	[sflag:s10] =	ssyncset.done $0x0  }
.LBB2_3:
0xfa: {  	[sflag:s10] =	ssyncadd.s32 @p0 $0xFFFFC000  }
0xfb: {  	[tilespmem:s2], [sflag:$0x9] =	stream.linear.gather [hbm4b:s0+s2], $0x200, $0x38;
	[tilespmem:$0x10600] =	vst v63  }
0xfc: {  	_ =	swait.ge [sflag:s29], $0x200  }
0xfd: {  	[sflag:s29] =	ssyncset.done $0x0  }
0xfe: {  	s1 =	rddreg [dreg:$0x3];
	[sflag:s29] =	ssyncadd.s32 $0xFFFFFE00  }
0xff: {  	[tilespmem:s26], [sflag:$0x9] =	stream.linear.gather [hbm4b:s1+s2], $0x200, $0x38;
	[tilespmem:$0x10600] =	vst v63  }
0x100: {  	_ =	swait.ge [sflag:s29], $0x200  }
0x101: {  	[sflag:s29] =	ssyncset.done $0x0  }
0x102: {  	s1 =	rddreg [dreg:$0x4];
	[sflag:s29] =	ssyncadd.s32 $0xFFFFFE00  }
0x103: {  	[tilespmem:s21], [sflag:$0x9] =	stream.linear.gather [hbm4b:s1+s2], $0x200, $0x38;
	[tilespmem:$0x10600] =	vst v63  }
0x104: {  	_ =	swait.ge [sflag:s29], $0x200  }
0x105: {  	[sflag:s29] =	ssyncset.done $0x0  }
0x106: {  	[sflag:s29] =	ssyncadd.s32 $0xFFFFFE00  }
0x107: {  	[tilespmem:s13], [sflag:$0x1] =	stream.indirect.gather [hbm4b:s3+s15], $0x80, s2, s15, $0xb8;
	[tilespmem:$0x10600] =	vst v63  }
0x108: {  	_ = 	snop  }
0x109: {  	[tilespmem:s12], [sflag:$0x2] =	stream.indirect.gather [hbm4b:s3+s15], $0x80, s15, s15, $0xb8;
	[tilespmem:$0x10600] =	vst v63  }
0x10a: {  	_ = 	snop  }
0x10b: {  	[tilespmem:s11], [sflag:$0x3] =	stream.indirect.gather [hbm4b:s3+s15], $0x80, s30, s15, $0xb8;
	[tilespmem:$0x10600] =	vst v63  }
0x10c: {  	_ = 	snop  }
0x10d: {  	[tilespmem:s9], [sflag:$0x4] =	stream.indirect.gather [hbm4b:s3+s15], $0x80, s31, s15, $0xb8;
	[tilespmem:$0x10600] =	vst v63  }
0x10e: {  	_ =	swait.ge [sflag:s18], $0x4000  }
0x10f: {  	[sflag:s18] =	ssyncset.done $0x0  }
0x110: {  	s29 =	rddreg [dreg:$0x5];
	[sflag:s18] =	ssyncadd.s32 $0xFFFFC000  }
0x111: {  	[hbm4b:s29+s2] =	stream.linear.scatter [tilespmem:s13], [sflag:$0x5], $0x4000, $0x38;
	[tilespmem:$0x10600] =	vst v63  }
0x112: {  	_ =	swait.ge [sflag:s8], $0x4000  }
0x113: {  	[sflag:s8] =	ssyncset.done $0x0  }
0x114: {  	[sflag:s8] =	ssyncadd.s32 $0xFFFFC000  }
0x115: {  	[tilespmem:s13], [sflag:$0x1] =	stream.indirect.gather [hbm4b:s19+s15], $0x80, s26, s15, $0xb8;
	[tilespmem:$0x10600] =	vst v63  }
0x116: {  	_ =	swait.ge [sflag:s16], $0x4000  }
0x117: {  	[sflag:s16] =	ssyncset.done $0x0  }
0x118: {  	s30 =	rddreg [dreg:$0x6];
	[sflag:s16] =	ssyncadd.s32 $0xFFFFC000  }
0x119: {  	[hbm4b:s30+s2] =	stream.linear.scatter [tilespmem:s12], [sflag:$0x6], $0x4000, $0x38;
	[tilespmem:$0x10600] =	vst v63  }
0x11a: {  	_ =	swait.ge [sflag:s6], $0x4000  }
0x11b: {  	[sflag:s6] =	ssyncset.done $0x0  }
0x11c: {  	[sflag:s6] =	ssyncadd.s32 $0xFFFFC000  }
0x11d: {  	[tilespmem:s12], [sflag:$0x2] =	stream.indirect.gather [hbm4b:s19+s15], $0x80, s28, s15, $0xb8;
	[tilespmem:$0x10600] =	vst v63  }
0x11e: {  	_ =	swait.ge [sflag:s14], $0x4000  }
0x11f: {  	[sflag:s14] =	ssyncset.done $0x0  }
0x120: {  	s31 =	rddreg [dreg:$0x7];
	[sflag:s14] =	ssyncadd.s32 $0xFFFFC000  }
0x121: {  	[hbm4b:s31+s2] =	stream.linear.scatter [tilespmem:s11], [sflag:$0x7], $0x4000, $0x38;
	[tilespmem:$0x10600] =	vst v63  }
0x122: {  	_ =	swait.ge [sflag:s7], $0x4000  }
0x123: {  	[sflag:s7] =	ssyncset.done $0x0  }
0x124: {  	[sflag:s7] =	ssyncadd.s32 $0xFFFFC000  }
0x125: {  	[tilespmem:s11], [sflag:$0x3] =	stream.indirect.gather [hbm4b:s19+s15], $0x80, s25, s15, $0xb8;
	[tilespmem:$0x10600] =	vst v63  }
0x126: {  	_ =	swait.ge [sflag:s17], $0x4000  }
0x127: {  	[sflag:s17] =	ssyncset.done $0x0  }
0x128: {  	s1 =	rddreg [dreg:$0x8];
	[sflag:s17] =	ssyncadd.s32 $0xFFFFC000  }
0x129: {  	[hbm4b:s1+s2] =	stream.linear.scatter [tilespmem:s9], [sflag:$0x8], $0x4000, $0x38;
	[tilespmem:$0x10600] =	vst v63  }
0x12a: {  	_ =	swait.ge [sflag:s10], $0x4000  }
0x12b: {  	[sflag:s10] =	ssyncset.done $0x0  }
0x12c: {  	[sflag:s10] =	ssyncadd.s32 $0xFFFFC000  }
0x12d: {  	[tilespmem:s9], [sflag:$0x4] =	stream.indirect.gather [hbm4b:s19+s15], $0x80, s24, s15, $0xb8;
	[tilespmem:$0x10600] =	vst v63  }
0x12e: {  	_ =	swait.ge [sflag:s18], $0x4000  }
0x12f: {  	[sflag:s18] =	ssyncset.done $0x0  }
0x130: {  	s24 =	rddreg [dreg:$0x9];
	[sflag:s18] =	ssyncadd.s32 $0xFFFFC000  }
0x131: {  	[hbm4b:s24+s2] =	stream.linear.scatter [tilespmem:s13], [sflag:$0x5], $0x4000, $0x38;
	[tilespmem:$0x10600] =	vst v63  }
0x132: {  	_ =	swait.ge [sflag:s8], $0x4000  }
0x133: {  	[sflag:s8] =	ssyncset.done $0x0  }
0x134: {  	[sflag:s8] =	ssyncadd.s32 $0xFFFFC000  }
0x135: {  	[tilespmem:s13], [sflag:$0x1] =	stream.indirect.gather [hbm4b:s3+s15], $0x80, s21, s15, $0xb8;
	[tilespmem:$0x10600] =	vst v63  }
0x136: {  	_ =	swait.ge [sflag:s16], $0x4000  }
0x137: {  	[sflag:s16] =	ssyncset.done $0x0  }
0x138: {  	s25 =	rddreg [dreg:$0xa];
	[sflag:s16] =	ssyncadd.s32 $0xFFFFC000  }
0x139: {  	[hbm4b:s25+s2] =	stream.linear.scatter [tilespmem:s12], [sflag:$0x6], $0x4000, $0x38;
	[tilespmem:$0x10600] =	vst v63  }
0x13a: {  	_ =	swait.ge [sflag:s6], $0x4000  }
0x13b: {  	[sflag:s6] =	ssyncset.done $0x0  }
0x13c: {  	[sflag:s6] =	ssyncadd.s32 $0xFFFFC000  }
0x13d: {  	[tilespmem:s12], [sflag:$0x2] =	stream.indirect.gather [hbm4b:s3+s15], $0x80, s23, s15, $0xb8;
	[tilespmem:$0x10600] =	vst v63  }
0x13e: {  	_ =	swait.ge [sflag:s14], $0x4000  }
0x13f: {  	[sflag:s14] =	ssyncset.done $0x0  }
0x140: {  	s26 =	rddreg [dreg:$0xb];
	[sflag:s14] =	ssyncadd.s32 $0xFFFFC000  }
0x141: {  	[hbm4b:s26+s2] =	stream.linear.scatter [tilespmem:s11], [sflag:$0x7], $0x4000, $0x38;
	[tilespmem:$0x10600] =	vst v63  }
0x142: {  	_ =	swait.ge [sflag:s7], $0x4000  }
0x143: {  	[sflag:s7] =	ssyncset.done $0x0  }
0x144: {  	[sflag:s7] =	ssyncadd.s32 $0xFFFFC000  }
0x145: {  	[tilespmem:s11], [sflag:$0x3] =	stream.indirect.gather [hbm4b:s3+s15], $0x80, s22, s15, $0xb8;
	[tilespmem:$0x10600] =	vst v63  }
0x146: {  	_ =	swait.ge [sflag:s17], $0x4000  }
0x147: {  	[sflag:s17] =	ssyncset.done $0x0  }
0x148: {  	s28 =	rddreg [dreg:$0xc];
	[sflag:s17] =	ssyncadd.s32 $0xFFFFC000  }
0x149: {  	[hbm4b:s28+s2] =	stream.linear.scatter [tilespmem:s9], [sflag:$0x8], $0x4000, $0x38;
	[tilespmem:$0x10600] =	vst v63  }
0x14a: {  	_ =	swait.ge [sflag:s10], $0x4000  }
0x14b: {  	[sflag:s10] =	ssyncset.done $0x0  }
0x14c: {  	[sflag:s10] =	ssyncadd.s32 $0xFFFFC000  }
0x14d: {  	[tilespmem:s9], [sflag:$0x4] =	stream.indirect.gather [hbm4b:s3+s15], $0x80, s20, s15, $0xb8;
	[tilespmem:$0x10600] =	vst v63  }
0x14e: {  	_ =	swait.ge [sflag:s18], $0x4000  }
0x14f: {  	[sflag:s18] =	ssyncset.done $0x0  }
0x150: {  	s29 =	rddreg [dreg:$0xd];
	[sflag:s18] =	ssyncadd.s32 $0xFFFFC000  }
0x151: {  	[hbm4b:s29+s2] =	stream.linear.scatter [tilespmem:s13], [sflag:$0x5], $0x4000, $0x38;
	[tilespmem:$0x10600] =	vst v63  }
0x152: {  	_ =	swait.ge [sflag:s16], $0x4000  }
0x153: {  	[sflag:s16] =	ssyncset.done $0x0  }
0x154: {  	s30 =	rddreg [dreg:$0xe];
	[sflag:s16] =	ssyncadd.s32 $0xFFFFC000  }
0x155: {  	[hbm4b:s30+s2] =	stream.linear.scatter [tilespmem:s12], [sflag:$0x6], $0x4000, $0x38;
	[tilespmem:$0x10600] =	vst v63  }
0x156: {  	_ =	swait.ge [sflag:s14], $0x4000  }
0x157: {  	[sflag:s14] =	ssyncset.done $0x0  }
0x158: {  	[sflag:s14] =	ssyncadd.s32 $0xFFFFC000  }
0x159: {  	[hbm4b:s5+s2] =	stream.linear.scatter [tilespmem:s11], [sflag:$0x7], $0x4000, $0x38;
	[tilespmem:$0x10600] =	vst v63  }
0x15a: {  	_ =	swait.ge [sflag:s17], $0x4000  }
0x15b: {  	[sflag:s17] =	ssyncset.done $0x0  }
0x15c: {  	[sflag:s17] =	ssyncadd.s32 $0xFFFFC000  }
0x15d: {  	[hbm4b:s4+s2] =	stream.linear.scatter [tilespmem:s9], [sflag:$0x8], $0x4000, $0x38;
	[tilespmem:$0x10600] =	vst v63  }
0x15e: {  	_ =	swait.ge [sflag:s8], $0x4000  }
0x15f: {  	[sflag:s8] =	ssyncset.done $0x0  }
0x160: {  	[sflag:s8] =	ssyncadd.s32 $0xFFFFC000  }
0x161: {  	_ =	swait.ge [sflag:s6], $0x4000  }
0x162: {  	[sflag:s6] =	ssyncset.done $0x0  }
0x163: {  	[sflag:s6] =	ssyncadd.s32 $0xFFFFC000  }
0x164: {  	_ =	swait.ge [sflag:s7], $0x4000  }
0x165: {  	[sflag:s7] =	ssyncset.done $0x0  }
0x166: {  	[sflag:s7] =	ssyncadd.s32 $0xFFFFC000  }
0x167: {  	_ =	swait.ge [sflag:s10], $0x4000  }
0x168: {  	[sflag:s10] =	ssyncset.done $0x0  }
0x169: {  	[sflag:s10] =	ssyncadd.s32 $0xFFFFC000  }
0x16a: {  	_ =	sfence.sel $0x180000  }
0x16b: {  	[bflag:$0x0] =	sbarrier.arrive $0xFFFF  }
0x16c: {  	_ =	strace $0x90000047  }
0x16d: {  	s31 =	stileid.u32;
	[bflag:$0x2] =	sbarrier.arrive $0xFFFF  }
0x16e: {  	p0 =	sne.s32 s31, $0x0;
	s0 =	rddreg [dreg:$0x1]  }
0x16f: {  	s0 =	sadd.s32 @!p0 $0x100000, s0  }
0x170: {  	[sflag:s0] =	ssyncadd.tile.s32 @!p0 $0x1;
	_ =	shalt  }
.Lfunc_end2:
_tile_overlayer_lowered:
.L_overlay_start_2:
0x171: {  	(tag) =	ssettag $0x2  }
0x172: {  	s0 =	rddreg [dreg:$0x0];
	s2 =	stileid.u32  }
0x173: {  	s1 =	rddreg [dreg:$0x1];
	p0 =	sne.s32 s2, $0x0  }
0x174: {  	s3 =	rddreg [dreg:$0x2];
	[bflag:$0x3] =	sbarrier.arrive $0xFFFF;
	s2 =	simm.s32 @!p0 $0x1C09  }
0x175: {  	[timem:s3], [sflag:s2] =	dma.local @!p0 [hbm:s0], s1  }
0x176: {  	s0 =	simm.s32 @!p0 $0x9  }
0x177: {  	_ =	swait.ge @!p0 [sflag:s0], s1  }
0x178: {  	s1 =	ssub.s32 @!p0 $0x0, s1;
	[sflag:s0] =	ssyncset.done @!p0 $0x0  }
0x179: {  	[sflag:s0] =	ssyncadd.s32 @!p0 s1  }
0x17a: {  	[bflag:$0x3] =	sbarrier.arrive $0xFFFF  }
0x17b: {  	_ =	shalt  }

</sc_bundles>
